<compile_context>
chip_gen: v7x
topology: tpu7x:2x2x1
jax: 0.10.2.dev20260603
libtpu: 0.0.44.dev20260713+nightly
codegen_flags: <defaults>
</compile_context>

<pallas_src>
import functools

import jax
import jax.numpy as jnp
from jax import lax
from jax.experimental import pallas as pl
from jax.experimental.pallas import tpu as pltpu
from jax.experimental.pallas import tpu_sc as plsc

B, T, P, N, FP, FN, E = 4, 8, 2000, 10000, 32, 16, 50000
HORIZON = 12
TFP = T * FP
TFN = T * FN
IN_DIM = TFN + TFP

NC, NS = 2, 16
NW = NC * NS
PK = 2048
D = TFP * B
NPAD = 10240
BLK = 32
NPASS = NPAD // (NW * BLK)
MROWS = 40
CHUNK = 512
EPADG = 51200
SENT = BLK * PK


def _sc_build_m(mp, bt, lov, ncv, zer):
    mesh = plsc.VectorSubcoreMesh(core_axis_name="c", subcore_axis_name="s",
                                  num_cores=NC, num_subcores=NS)

    @functools.partial(
        pl.kernel,
        out_type=jax.ShapeDtypeStruct((NPAD * PK,), jnp.float32),
        mesh=mesh,
        compiler_params=pltpu.CompilerParams(needs_layout_passes=False),
        scratch_types=[
            pltpu.VMEM((MROWS * PK,), jnp.float32),
            pltpu.VMEM((CHUNK,), jnp.int32),
            pltpu.VMEM((CHUNK,), jnp.int32),
            pltpu.VMEM((16,), jnp.int32),
            pltpu.VMEM((16,), jnp.int32),
        ],
    )
    def k(mp_h, bt_h, lov_h, ncv_h, zer_h, out_h,
          mwin, mps, bts, lrow, nrow):
        cid = lax.axis_index("c")
        sid = lax.axis_index("s")
        wid = cid * NS + sid

        ones = jnp.ones((16,), jnp.float32)

        def ppass(p, carry):
            blk = p * NW + wid
            base = blk * BLK

            pltpu.sync_copy(zer_h, mwin.at[pl.ds(0, BLK * PK)])

            pltpu.sync_copy(lov_h.at[wid, p], lrow)
            pltpu.sync_copy(ncv_h.at[wid, p], nrow)
            lo8 = jnp.max(lrow[...])
            nch = jnp.max(nrow[...])

            def chunk(c, carry2):
                off = pl.multiple_of(lo8 + c * CHUNK, 8)
                pltpu.sync_copy(mp_h.at[pl.ds(off, CHUNK)], mps)
                pltpu.sync_copy(bt_h.at[pl.ds(off, CHUNK)], bts)
                for g in range(CHUNK // 16):
                    mv = mps[pl.ds(g * 16, 16)]
                    bv = bts[pl.ds(g * 16, 16)]
                    rv = mv - base
                    oob = (rv < 0) | (rv >= BLK)
                    flat = jnp.where(oob, SENT, rv * PK + bv)
                    plsc.addupdate_scatter(mwin, [flat], ones)
                return carry2

            lax.fori_loop(0, nch, chunk, 0)

            pltpu.sync_copy(mwin.at[pl.ds(0, BLK * PK)],
                            out_h.at[pl.ds(base * PK, BLK * PK)])
            return carry

        lax.fori_loop(0, NPASS, ppass, 0)

    return k(mp, bt, lov, ncv, zer)


def _tc_mlp_body(m_ref, tab_ref, nodes_ref, w1_ref, b1_ref,
                 w2mu_ref, b2mu_ref, w2sg_ref, b2sg_ref, mu_ref, sg_ref):
    m = m_ref[...]
    s_all = jnp.dot(m.astype(jnp.bfloat16), tab_ref[...],
                    preferred_element_type=jnp.float32)
    cnt = jnp.sum(m, axis=1, keepdims=True)
    r = 1.0 / jnp.maximum(cnt, 1.0)
    w1 = w1_ref[...]
    mlp_in = jnp.concatenate(
        [jnp.concatenate([nodes_ref[b], s_all[:, b * TFP:(b + 1) * TFP] * r],
                         axis=1) for b in range(B)], axis=0)
    h = jnp.dot(mlp_in, w1, preferred_element_type=jnp.float32)
    h = jnp.maximum(h + b1_ref[...], 0.0)
    u = jnp.dot(h, w2mu_ref[...],
                preferred_element_type=jnp.float32) + b2mu_ref[...]
    v = jnp.dot(h, w2sg_ref[...],
                preferred_element_type=jnp.float32) + b2sg_ref[...]
    sp = jnp.maximum(v, 0.0) + jnp.log1p(jnp.exp(-jnp.abs(v))) + 1e-6
    TN = u.shape[0] // B
    for b in range(B):
        mu_ref[b] = u[b * TN:(b + 1) * TN]
        sg_ref[b] = sp[b * TN:(b + 1) * TN]


def _tc_mlp(m2d, tab, nodes_flat, w1, b1, w2mu, b2mu, w2sg, b2sg):
    TN = 512
    grid = (NPAD // TN,)
    return pl.pallas_call(
        _tc_mlp_body,
        grid=grid,
        in_specs=[
            pl.BlockSpec((TN, PK), lambda i: (i, 0)),
            pl.BlockSpec((PK, D), lambda i: (0, 0)),
            pl.BlockSpec((B, TN, TFN), lambda i: (0, i, 0)),
            pl.BlockSpec((IN_DIM, IN_DIM), lambda i: (0, 0)),
            pl.BlockSpec((1, IN_DIM), lambda i: (0, 0)),
            pl.BlockSpec((IN_DIM, HORIZON), lambda i: (0, 0)),
            pl.BlockSpec((1, HORIZON), lambda i: (0, 0)),
            pl.BlockSpec((IN_DIM, HORIZON), lambda i: (0, 0)),
            pl.BlockSpec((1, HORIZON), lambda i: (0, 0)),
        ],
        out_specs=[
            pl.BlockSpec((B, TN, HORIZON), lambda i: (0, i, 0)),
            pl.BlockSpec((B, TN, HORIZON), lambda i: (0, i, 0)),
        ],
        out_shape=[
            jax.ShapeDtypeStruct((B, N, HORIZON), jnp.float32),
            jax.ShapeDtypeStruct((B, N, HORIZON), jnp.float32),
        ],
    )(m2d, tab, nodes_flat, w1, b1, w2mu, b2mu, w2sg, b2sg)


def kernel(patch_x, nodes_x, subgraphs_batch, subgraphs_nodes_mapper,
           W1, b1, W2, b2):
    f32, i32 = jnp.float32, jnp.int32

    tab = patch_x.transpose(2, 0, 1, 3).reshape(P, D)
    tab = jnp.concatenate([tab, jnp.zeros((PK - P, D), f32)])
    tab = tab.astype(jnp.bfloat16)

    mp = jnp.concatenate([subgraphs_nodes_mapper.astype(i32),
                          jnp.full((EPADG - E,), N, i32)])
    bt = jnp.concatenate([subgraphs_batch.astype(i32),
                          jnp.zeros((EPADG - E,), i32)])

    bounds = jnp.arange(NW * NPASS + 1, dtype=i32) * BLK
    pos = jnp.sum((mp[None, :] < bounds[:, None]).astype(i32), axis=1)
    lo8 = pos[:-1] & ~7
    nch = (pos[1:] - lo8 + CHUNK - 1) // CHUNK
    lo8w = lo8.reshape(NPASS, NW).T
    nchw = nch.reshape(NPASS, NW).T
    lov = jnp.broadcast_to(lo8w[:, :, None], (NW, NPASS, 16)).astype(i32)
    ncv = jnp.broadcast_to(nchw[:, :, None], (NW, NPASS, 16)).astype(i32)

    zer = jnp.zeros((BLK * PK,), f32)

    mflat = _sc_build_m(mp, bt, lov, ncv, zer)
    m2d = mflat.reshape(NPAD, PK)

    nodes_flat = nodes_x.transpose(0, 2, 1, 3).reshape(B, N, TFN)
    w2mu, w2sg = W2[:, 0::2], W2[:, 1::2]
    b2mu, b2sg = b2[0::2].reshape(1, HORIZON), b2[1::2].reshape(1, HORIZON)

    mu_pre, sg_pre = _tc_mlp(m2d, tab, nodes_flat, W1, b1.reshape(1, IN_DIM),
                             w2mu, b2mu, w2sg, b2sg)
    return jnp.swapaxes(mu_pre, 1, 2), jnp.swapaxes(sg_pre, 1, 2)

# --- scband reference (transcript-rebuilt; emitter-appended) ---
"""Pipeline reference for scband-single-node-readout-79937931313654 (READ-ONLY COPY).

The authoritative reference and input builder live on the scoring server;
editing this copy changes nothing except your own understanding.
"""

import jax, jax.numpy as jnp
import numpy as np

B, T, P, N, FP, FN, E = 4, 8, 2000, 10000, 32, 16, 50000
HORIZON = 12
IN_DIM = FP * T + FN * T  # 384
HID = IN_DIM
OUT_DIM = HORIZON * 2


def setup_inputs(seed: int = 0) -> dict:
    key = jax.random.key(seed)
    ks = jax.random.split(key, 8)
    patch_x = jax.random.normal(ks[0], (B, T, P, FP), dtype=jnp.float32)
    nodes_x = jax.random.normal(ks[1], (B, T, N, FN), dtype=jnp.float32)
    subgraphs_batch = jax.random.randint(ks[2], (E,), 0, P, dtype=jnp.int32)
    subgraphs_nodes_mapper = jnp.sort(jax.random.randint(ks[3], (E,), 0, N, dtype=jnp.int32))
    W1 = jax.random.normal(ks[4], (IN_DIM, HID), dtype=jnp.float32) * 0.05
    b1 = jnp.zeros((HID,), dtype=jnp.float32)
    W2 = jax.random.normal(ks[5], (HID, OUT_DIM), dtype=jnp.float32) * 0.05
    b2 = jnp.zeros((OUT_DIM,), dtype=jnp.float32)
    return {
        'patch_x': patch_x,
        'nodes_x': nodes_x,
        'subgraphs_batch': subgraphs_batch,
        'subgraphs_nodes_mapper': subgraphs_nodes_mapper,
        'W1': W1, 'b1': b1, 'W2': W2, 'b2': b2,
    }


def reference(patch_x, nodes_x, subgraphs_batch, subgraphs_nodes_mapper, W1, b1, W2, b2):
    # gather patches per subgraph membership: (B, T, E, FP)
    gathered = patch_x[:, :, subgraphs_batch, :]
    # scatter-mean over destination nodes (dim=-2), output size N
    sums = jnp.zeros((B, T, N, FP), dtype=patch_x.dtype).at[:, :, subgraphs_nodes_mapper, :].add(gathered)
    counts = jnp.zeros((N,), dtype=patch_x.dtype).at[subgraphs_nodes_mapper].add(1.0)
    patch_x_nodes = sums / jnp.maximum(counts, 1.0)[None, None, :, None]
    # rearrange 'B t n f -> B n (t f)'
    patch_flat = jnp.transpose(patch_x_nodes, (0, 2, 1, 3)).reshape(B, N, T * FP)
    nodes_flat = jnp.transpose(nodes_x, (0, 2, 1, 3)).reshape(B, N, T * FN)
    mlp_in = jnp.concatenate([nodes_flat, patch_flat], axis=-1)  # (B, N, IN_DIM)
    # 2-layer MLP, no final activation
    h = jax.nn.relu(mlp_in @ W1 + b1)
    out = h @ W2 + b2  # (B, N, OUT_DIM)
    out = out.reshape(B, N, HORIZON, 2)
    mu = jnp.swapaxes(out[..., 0], 1, 2)                       # (B, horizon, N)
    sigma = jnp.swapaxes(jax.nn.softplus(out[..., 1]) + 1e-06, 1, 2)  # (B, horizon, N)
    # LogNormal(mu, sigma) parameters returned directly
    return (mu, sigma)

if __name__ == "__main__":
    import jax
    _d = setup_inputs()
    print(jax.jit(kernel)(*tuple(_d.values())))

</pallas_src>

<mosaic_0001>
#map = affine_map<(d0, d1) -> (0)>
#map1 = affine_map<(d0, d1) -> (0, 0, 0)>
module attributes {stable_mosaic.version = 14 : i64} {
  func.func @k(%arg0: i32, %arg1: i32, %arg2: memref<51200xi32, #tpu.memory_space<hbm>>, %arg3: memref<51200xi32, #tpu.memory_space<hbm>>, %arg4: memref<32x10x16xi32, #tpu.memory_space<hbm>>, %arg5: memref<32x10x16xi32, #tpu.memory_space<hbm>>, %arg6: memref<65536xf32, #tpu.memory_space<hbm>>, %arg7: memref<20971520xf32, #tpu.memory_space<hbm>>, %arg8: memref<81920xf32, #tpu.memory_space<vmem>>, %arg9: memref<512xi32, #tpu.memory_space<vmem>>, %arg10: memref<512xi32, #tpu.memory_space<vmem>>, %arg11: memref<16xi32, #tpu.memory_space<vmem>>, %arg12: memref<16xi32, #tpu.memory_space<vmem>>) attributes {dimension_semantics = [#tpu.dimension_semantics<core_parallel>, #tpu.dimension_semantics<subcore_parallel>], iteration_bounds = array<i64: 2, 16>, scalar_prefetch = 0 : i64, scratch_operands = 5 : i64, tpu.core_type = #tpu.core_type<sc_vector_subcore>, window_params = [{transform_indices = #map}, {transform_indices = #map}, {transform_indices = #map1}, {transform_indices = #map1}, {transform_indices = #map}, {transform_indices = #map}]} {
    %mul3A = arith.constant 16 : i32
    %mul3A_0 = arith.muli %arg0, %mul3A : i32
    %add3A = arith.addi %mul3A_0, %arg1 : i32
    %broadcast_in_dim3A = arith.constant 1.000000e+00 : f32
    %broadcast_in_dim3A_1 = vector.broadcast %broadcast_in_dim3A : f32 to vector<16xf32>
    %scan3A = arith.constant 0 : i32
    %scan3A_2 = arith.constant 0 : i32
    %scan3A_3 = arith.constant 10 : i32
    %scan3A_4 = arith.addi %scan3A_2, %scan3A_3 : i32
    %scan3A_5 = arith.constant 1 : i32
    scf.for %scan3A_7 = %scan3A_2 to %scan3A_4 step %scan3A_5  : i32 {
      %mul3A_8 = arith.constant 32 : i32
      %mul3A_9 = arith.muli %scan3A_7, %mul3A_8 : i32
      %add3A_10 = arith.addi %mul3A_9, %add3A : i32
      %mul3A_11 = arith.constant 32 : i32
      %mul3A_12 = arith.muli %add3A_10, %mul3A_11 : i32
      "tpu.region"() ({
        %run_scoped3A = tpu.sem_alloc : memref<!tpu.dma_semaphore, #tpu.memory_space<semaphore_mem>>
        %dma_start3A = arith.constant 0 : i32
        %dma_start3A_42 = tpu.memref_slice %arg8[%dma_start3A] : memref<81920xf32, #tpu.memory_space<vmem>> -> memref<65536xf32, #tpu.memory_space<vmem>>
        %dma_start3A_43 = arith.constant 0 : i32
        %dma_start3A_44 = tpu.memref_slice %arg8[%dma_start3A_43] : memref<81920xf32, #tpu.memory_space<vmem>> -> memref<65536xf32, #tpu.memory_space<vmem>>
        tpu.enqueue_dma source(%arg6 : memref<65536xf32, #tpu.memory_space<hbm>>) target(%dma_start3A_44 : memref<65536xf32, #tpu.memory_space<vmem>>) target_semaphore(%run_scoped3A : memref<!tpu.dma_semaphore, #tpu.memory_space<semaphore_mem>>)
        %dma_wait3A = arith.constant 0 : i32
        %dma_wait3A_45 = tpu.memref_slice %arg8[%dma_wait3A] : memref<81920xf32, #tpu.memory_space<vmem>> -> memref<65536xf32, #tpu.memory_space<vmem>>
        %dma_wait3A_46 = arith.constant 0 : i32
        %dma_wait3A_47 = tpu.memref_slice %arg8[%dma_wait3A_46] : memref<81920xf32, #tpu.memory_space<vmem>> -> memref<65536xf32, #tpu.memory_space<vmem>>
        tpu.wait_dma2 semaphore(%run_scoped3A : memref<!tpu.dma_semaphore, #tpu.memory_space<semaphore_mem>>) src(%arg6 : memref<65536xf32, #tpu.memory_space<hbm>>) dst(%dma_wait3A_47 : memref<65536xf32, #tpu.memory_space<vmem>>)
        tpu.yield
      }) : () -> ()
      "tpu.region"() ({
        %run_scoped3A = tpu.sem_alloc : memref<!tpu.dma_semaphore, #tpu.memory_space<semaphore_mem>>
        %dma_start3A = arith.constant 0 : i32
        %dma_start3A_42 = tpu.memref_slice %arg4[%add3A, %scan3A_7, %dma_start3A] : memref<32x10x16xi32, #tpu.memory_space<hbm>> -> memref<1x1x16xi32, #tpu.memory_space<hbm>>
        %dma_start3A_43 = tpu.memref_squeeze %dma_start3A_42 : memref<1x1x16xi32, #tpu.memory_space<hbm>> -> memref<16xi32, #tpu.memory_space<hbm>>
        %dma_start3A_44 = arith.constant 0 : i32
        %dma_start3A_45 = tpu.memref_slice %arg4[%add3A, %scan3A_7, %dma_start3A_44] : memref<32x10x16xi32, #tpu.memory_space<hbm>> -> memref<1x1x16xi32, #tpu.memory_space<hbm>>
        %dma_start3A_46 = tpu.memref_squeeze %dma_start3A_45 : memref<1x1x16xi32, #tpu.memory_space<hbm>> -> memref<16xi32, #tpu.memory_space<hbm>>
        tpu.enqueue_dma source(%dma_start3A_46 : memref<16xi32, #tpu.memory_space<hbm>>) target(%arg11 : memref<16xi32, #tpu.memory_space<vmem>>) target_semaphore(%run_scoped3A : memref<!tpu.dma_semaphore, #tpu.memory_space<semaphore_mem>>)
        %dma_wait3A = arith.constant 0 : i32
        %dma_wait3A_47 = tpu.memref_slice %arg4[%add3A, %scan3A_7, %dma_wait3A] : memref<32x10x16xi32, #tpu.memory_space<hbm>> -> memref<1x1x16xi32, #tpu.memory_space<hbm>>
        %dma_wait3A_48 = tpu.memref_squeeze %dma_wait3A_47 : memref<1x1x16xi32, #tpu.memory_space<hbm>> -> memref<16xi32, #tpu.memory_space<hbm>>
        %dma_wait3A_49 = arith.constant 0 : i32
        %dma_wait3A_50 = tpu.memref_slice %arg4[%add3A, %scan3A_7, %dma_wait3A_49] : memref<32x10x16xi32, #tpu.memory_space<hbm>> -> memref<1x1x16xi32, #tpu.memory_space<hbm>>
        %dma_wait3A_51 = tpu.memref_squeeze %dma_wait3A_50 : memref<1x1x16xi32, #tpu.memory_space<hbm>> -> memref<16xi32, #tpu.memory_space<hbm>>
        tpu.wait_dma2 semaphore(%run_scoped3A : memref<!tpu.dma_semaphore, #tpu.memory_space<semaphore_mem>>) src(%dma_wait3A_51 : memref<16xi32, #tpu.memory_space<hbm>>) dst(%arg11 : memref<16xi32, #tpu.memory_space<vmem>>)
        tpu.yield
      }) : () -> ()
      "tpu.region"() ({
        %run_scoped3A = tpu.sem_alloc : memref<!tpu.dma_semaphore, #tpu.memory_space<semaphore_mem>>
        %dma_start3A = arith.constant 0 : i32
        %dma_start3A_42 = tpu.memref_slice %arg5[%add3A, %scan3A_7, %dma_start3A] : memref<32x10x16xi32, #tpu.memory_space<hbm>> -> memref<1x1x16xi32, #tpu.memory_space<hbm>>
        %dma_start3A_43 = tpu.memref_squeeze %dma_start3A_42 : memref<1x1x16xi32, #tpu.memory_space<hbm>> -> memref<16xi32, #tpu.memory_space<hbm>>
        %dma_start3A_44 = arith.constant 0 : i32
        %dma_start3A_45 = tpu.memref_slice %arg5[%add3A, %scan3A_7, %dma_start3A_44] : memref<32x10x16xi32, #tpu.memory_space<hbm>> -> memref<1x1x16xi32, #tpu.memory_space<hbm>>
        %dma_start3A_46 = tpu.memref_squeeze %dma_start3A_45 : memref<1x1x16xi32, #tpu.memory_space<hbm>> -> memref<16xi32, #tpu.memory_space<hbm>>
        tpu.enqueue_dma source(%dma_start3A_46 : memref<16xi32, #tpu.memory_space<hbm>>) target(%arg12 : memref<16xi32, #tpu.memory_space<vmem>>) target_semaphore(%run_scoped3A : memref<!tpu.dma_semaphore, #tpu.memory_space<semaphore_mem>>)
        %dma_wait3A = arith.constant 0 : i32
        %dma_wait3A_47 = tpu.memref_slice %arg5[%add3A, %scan3A_7, %dma_wait3A] : memref<32x10x16xi32, #tpu.memory_space<hbm>> -> memref<1x1x16xi32, #tpu.memory_space<hbm>>
        %dma_wait3A_48 = tpu.memref_squeeze %dma_wait3A_47 : memref<1x1x16xi32, #tpu.memory_space<hbm>> -> memref<16xi32, #tpu.memory_space<hbm>>
        %dma_wait3A_49 = arith.constant 0 : i32
        %dma_wait3A_50 = tpu.memref_slice %arg5[%add3A, %scan3A_7, %dma_wait3A_49] : memref<32x10x16xi32, #tpu.memory_space<hbm>> -> memref<1x1x16xi32, #tpu.memory_space<hbm>>
        %dma_wait3A_51 = tpu.memref_squeeze %dma_wait3A_50 : memref<1x1x16xi32, #tpu.memory_space<hbm>> -> memref<16xi32, #tpu.memory_space<hbm>>
        tpu.wait_dma2 semaphore(%run_scoped3A : memref<!tpu.dma_semaphore, #tpu.memory_space<semaphore_mem>>) src(%dma_wait3A_51 : memref<16xi32, #tpu.memory_space<hbm>>) dst(%arg12 : memref<16xi32, #tpu.memory_space<vmem>>)
        tpu.yield
      }) : () -> ()
      %get3A = arith.constant 0 : index
      %get3A_13 = tpu.vector_load %arg11[%get3A] {strides = array<i32>} : memref<16xi32, #tpu.memory_space<vmem>>, vector<16xi32>,
      %reduce_max3A = arith.constant true
      %reduce_max3A_14 = vector.broadcast %reduce_max3A : i1 to vector<16xi1>
      %reduce_max3A_15 = arith.constant -2147483648 : i32
      %reduce_max3A_16 = vector.broadcast %reduce_max3A_15 : i32 to vector<16xi32>
      %reduce_max3A_17 = arith.xori %get3A_13, %reduce_max3A_16 : vector<16xi32>
      %reduce_max3A_18 = tpu.scan <max>, %reduce_max3A_17 masked %reduce_max3A_14 : vector<16xi32>, vector<16xi1> -> vector<16xi32>
      %reduce_max3A_19 = arith.xori %reduce_max3A_18, %reduce_max3A_16 : vector<16xi32>
      %reduce_max3A_20 = vector.extract %reduce_max3A_19[15] : i32 from vector<16xi32>
      %get3A_21 = arith.constant 0 : index
      %get3A_22 = tpu.vector_load %arg12[%get3A_21] {strides = array<i32>} : memref<16xi32, #tpu.memory_space<vmem>>, vector<16xi32>,
      %reduce_max3A_23 = arith.constant true
      %reduce_max3A_24 = vector.broadcast %reduce_max3A_23 : i1 to vector<16xi1>
      %reduce_max3A_25 = arith.constant -2147483648 : i32
      %reduce_max3A_26 = vector.broadcast %reduce_max3A_25 : i32 to vector<16xi32>
      %reduce_max3A_27 = arith.xori %get3A_22, %reduce_max3A_26 : vector<16xi32>
      %reduce_max3A_28 = tpu.scan <max>, %reduce_max3A_27 masked %reduce_max3A_24 : vector<16xi32>, vector<16xi1> -> vector<16xi32>
      %reduce_max3A_29 = arith.xori %reduce_max3A_28, %reduce_max3A_26 : vector<16xi32>
      %reduce_max3A_30 = vector.extract %reduce_max3A_29[15] : i32 from vector<16xi32>
      %while3A = arith.constant 0 : i32
      %while3A_31 = arith.constant 0 : i32
      %while3A_32 = arith.subi %reduce_max3A_30, %while3A_31 : i32
      %while3A_33 = arith.addi %while3A_31, %while3A_32 : i32
      %while3A_34 = arith.constant 1 : i32
      %while3A_35 = arith.divsi %while3A_32, %while3A_34 : i32
      %while3A_36 = arith.muli %while3A_35, %while3A_34 : i32
      %while3A_37 = arith.addi %while3A_31, %while3A_36 : i32
      %while3A_38 = arith.constant 1 : i32
      scf.for %while3A_42 = %while3A_31 to %while3A_37 step %while3A_38  : i32 {
        %mul3A_43 = arith.constant 512 : i32
        %mul3A_44 = arith.muli %while3A_42, %mul3A_43 : i32
        %add3A_45 = arith.addi %reduce_max3A_20, %mul3A_44 : i32
        %multiple_of3A = tpu.assume_multiple %add3A_45, 8 : i32
        "tpu.region"() ({
          %run_scoped3A = tpu.sem_alloc : memref<!tpu.dma_semaphore, #tpu.memory_space<semaphore_mem>>
          %dma_start3A = tpu.memref_slice %arg2[%multiple_of3A] : memref<51200xi32, #tpu.memory_space<hbm>> -> memref<512xi32, #tpu.memory_space<hbm>>
          %dma_start3A_680 = tpu.memref_slice %arg2[%multiple_of3A] : memref<51200xi32, #tpu.memory_space<hbm>> -> memref<512xi32, #tpu.memory_space<hbm>>
          tpu.enqueue_dma source(%dma_start3A_680 : memref<512xi32, #tpu.memory_space<hbm>>) target(%arg9 : memref<512xi32, #tpu.memory_space<vmem>>) target_semaphore(%run_scoped3A : memref<!tpu.dma_semaphore, #tpu.memory_space<semaphore_mem>>)
          %dma_wait3A = tpu.memref_slice %arg2[%multiple_of3A] : memref<51200xi32, #tpu.memory_space<hbm>> -> memref<512xi32, #tpu.memory_space<hbm>>
          %dma_wait3A_681 = tpu.memref_slice %arg2[%multiple_of3A] : memref<51200xi32, #tpu.memory_space<hbm>> -> memref<512xi32, #tpu.memory_space<hbm>>
          tpu.wait_dma2 semaphore(%run_scoped3A : memref<!tpu.dma_semaphore, #tpu.memory_space<semaphore_mem>>) src(%dma_wait3A_681 : memref<512xi32, #tpu.memory_space<hbm>>) dst(%arg9 : memref<512xi32, #tpu.memory_space<vmem>>)
          tpu.yield
        }) : () -> ()
        "tpu.region"() ({
          %run_scoped3A = tpu.sem_alloc : memref<!tpu.dma_semaphore, #tpu.memory_space<semaphore_mem>>
          %dma_start3A = tpu.memref_slice %arg3[%multiple_of3A] : memref<51200xi32, #tpu.memory_space<hbm>> -> memref<512xi32, #tpu.memory_space<hbm>>
          %dma_start3A_680 = tpu.memref_slice %arg3[%multiple_of3A] : memref<51200xi32, #tpu.memory_space<hbm>> -> memref<512xi32, #tpu.memory_space<hbm>>
          tpu.enqueue_dma source(%dma_start3A_680 : memref<512xi32, #tpu.memory_space<hbm>>) target(%arg10 : memref<512xi32, #tpu.memory_space<vmem>>) target_semaphore(%run_scoped3A : memref<!tpu.dma_semaphore, #tpu.memory_space<semaphore_mem>>)
          %dma_wait3A = tpu.memref_slice %arg3[%multiple_of3A] : memref<51200xi32, #tpu.memory_space<hbm>> -> memref<512xi32, #tpu.memory_space<hbm>>
          %dma_wait3A_681 = tpu.memref_slice %arg3[%multiple_of3A] : memref<51200xi32, #tpu.memory_space<hbm>> -> memref<512xi32, #tpu.memory_space<hbm>>
          tpu.wait_dma2 semaphore(%run_scoped3A : memref<!tpu.dma_semaphore, #tpu.memory_space<semaphore_mem>>) src(%dma_wait3A_681 : memref<512xi32, #tpu.memory_space<hbm>>) dst(%arg10 : memref<512xi32, #tpu.memory_space<vmem>>)
          tpu.yield
        }) : () -> ()
        %get3A_46 = arith.constant 0 : index
        %get3A_47 = tpu.vector_load %arg9[%get3A_46] {strides = array<i32>} : memref<512xi32, #tpu.memory_space<vmem>>, vector<16xi32>,
        %get3A_48 = arith.constant 0 : index
        %get3A_49 = tpu.vector_load %arg10[%get3A_48] {strides = array<i32>} : memref<512xi32, #tpu.memory_space<vmem>>, vector<16xi32>,
        %sub3A = vector.broadcast %mul3A_12 : i32 to vector<16xi32>
        %sub3A_50 = arith.subi %get3A_47, %sub3A : vector<16xi32>
        %lt3A = arith.constant 0 : i32
        %lt3A_51 = vector.broadcast %lt3A : i32 to vector<16xi32>
        %lt3A_52 = arith.cmpi slt, %sub3A_50, %lt3A_51 : vector<16xi32>
        %ge3A = arith.constant 32 : i32
        %ge3A_53 = vector.broadcast %ge3A : i32 to vector<16xi32>
        %ge3A_54 = arith.cmpi sge, %sub3A_50, %ge3A_53 : vector<16xi32>
        %or3A = arith.ori %lt3A_52, %ge3A_54 : vector<16xi1>
        %mul3A_55 = arith.constant 2048 : i32
        %mul3A_56 = vector.broadcast %mul3A_55 : i32 to vector<16xi32>
        %mul3A_57 = arith.muli %sub3A_50, %mul3A_56 : vector<16xi32>
        %add3A_58 = arith.addi %mul3A_57, %get3A_49 : vector<16xi32>
        %jit3A = arith.constant 65536 : i32
        %broadcast_in_dim3A_59 = vector.broadcast %jit3A : i32 to vector<16xi32>
        %select_n3A = arith.select %or3A, %broadcast_in_dim3A_59, %add3A_58 : vector<16xi1>, vector<16xi32>
        tpu.vector_store_idx %arg8[%select_n3A], %broadcast_in_dim3A_1 {add = true} : memref<81920xf32, #tpu.memory_space<vmem>>[vector<16xi32>], vector<16xf32>,
        %get3A_60 = arith.constant 16 : index
        %get3A_61 = tpu.vector_load %arg9[%get3A_60] {strides = array<i32>} : memref<512xi32, #tpu.memory_space<vmem>>, vector<16xi32>,
        %get3A_62 = arith.constant 16 : index
        %get3A_63 = tpu.vector_load %arg10[%get3A_62] {strides = array<i32>} : memref<512xi32, #tpu.memory_space<vmem>>, vector<16xi32>,
        %sub3A_64 = vector.broadcast %mul3A_12 : i32 to vector<16xi32>
        %sub3A_65 = arith.subi %get3A_61, %sub3A_64 : vector<16xi32>
        %lt3A_66 = arith.constant 0 : i32
        %lt3A_67 = vector.broadcast %lt3A_66 : i32 to vector<16xi32>
        %lt3A_68 = arith.cmpi slt, %sub3A_65, %lt3A_67 : vector<16xi32>
        %ge3A_69 = arith.constant 32 : i32
        %ge3A_70 = vector.broadcast %ge3A_69 : i32 to vector<16xi32>
        %ge3A_71 = arith.cmpi sge, %sub3A_65, %ge3A_70 : vector<16xi32>
        %or3A_72 = arith.ori %lt3A_68, %ge3A_71 : vector<16xi1>
        %mul3A_73 = arith.constant 2048 : i32
        %mul3A_74 = vector.broadcast %mul3A_73 : i32 to vector<16xi32>
        %mul3A_75 = arith.muli %sub3A_65, %mul3A_74 : vector<16xi32>
        %add3A_76 = arith.addi %mul3A_75, %get3A_63 : vector<16xi32>
        %jit3A_77 = arith.constant 65536 : i32
        %broadcast_in_dim3A_78 = vector.broadcast %jit3A_77 : i32 to vector<16xi32>
        %select_n3A_79 = arith.select %or3A_72, %broadcast_in_dim3A_78, %add3A_76 : vector<16xi1>, vector<16xi32>
        tpu.vector_store_idx %arg8[%select_n3A_79], %broadcast_in_dim3A_1 {add = true} : memref<81920xf32, #tpu.memory_space<vmem>>[vector<16xi32>], vector<16xf32>,
        %get3A_80 = arith.constant 32 : index
        %get3A_81 = tpu.vector_load %arg9[%get3A_80] {strides = array<i32>} : memref<512xi32, #tpu.memory_space<vmem>>, vector<16xi32>,
        %get3A_82 = arith.constant 32 : index
        %get3A_83 = tpu.vector_load %arg10[%get3A_82] {strides = array<i32>} : memref<512xi32, #tpu.memory_space<vmem>>, vector<16xi32>,
        %sub3A_84 = vector.broadcast %mul3A_12 : i32 to vector<16xi32>
        %sub3A_85 = arith.subi %get3A_81, %sub3A_84 : vector<16xi32>
        %lt3A_86 = arith.constant 0 : i32
        %lt3A_87 = vector.broadcast %lt3A_86 : i32 to vector<16xi32>
        %lt3A_88 = arith.cmpi slt, %sub3A_85, %lt3A_87 : vector<16xi32>
        %ge3A_89 = arith.constant 32 : i32
        %ge3A_90 = vector.broadcast %ge3A_89 : i32 to vector<16xi32>
        %ge3A_91 = arith.cmpi sge, %sub3A_85, %ge3A_90 : vector<16xi32>
        %or3A_92 = arith.ori %lt3A_88, %ge3A_91 : vector<16xi1>
        %mul3A_93 = arith.constant 2048 : i32
        %mul3A_94 = vector.broadcast %mul3A_93 : i32 to vector<16xi32>
        %mul3A_95 = arith.muli %sub3A_85, %mul3A_94 : vector<16xi32>
        %add3A_96 = arith.addi %mul3A_95, %get3A_83 : vector<16xi32>
        %jit3A_97 = arith.constant 65536 : i32
        %broadcast_in_dim3A_98 = vector.broadcast %jit3A_97 : i32 to vector<16xi32>
        %select_n3A_99 = arith.select %or3A_92, %broadcast_in_dim3A_98, %add3A_96 : vector<16xi1>, vector<16xi32>
        tpu.vector_store_idx %arg8[%select_n3A_99], %broadcast_in_dim3A_1 {add = true} : memref<81920xf32, #tpu.memory_space<vmem>>[vector<16xi32>], vector<16xf32>,
        %get3A_100 = arith.constant 48 : index
        %get3A_101 = tpu.vector_load %arg9[%get3A_100] {strides = array<i32>} : memref<512xi32, #tpu.memory_space<vmem>>, vector<16xi32>,
        %get3A_102 = arith.constant 48 : index
        %get3A_103 = tpu.vector_load %arg10[%get3A_102] {strides = array<i32>} : memref<512xi32, #tpu.memory_space<vmem>>, vector<16xi32>,
        %sub3A_104 = vector.broadcast %mul3A_12 : i32 to vector<16xi32>
        %sub3A_105 = arith.subi %get3A_101, %sub3A_104 : vector<16xi32>
        %lt3A_106 = arith.constant 0 : i32
        %lt3A_107 = vector.broadcast %lt3A_106 : i32 to vector<16xi32>
        %lt3A_108 = arith.cmpi slt, %sub3A_105, %lt3A_107 : vector<16xi32>
        %ge3A_109 = arith.constant 32 : i32
        %ge3A_110 = vector.broadcast %ge3A_109 : i32 to vector<16xi32>
        %ge3A_111 = arith.cmpi sge, %sub3A_105, %ge3A_110 : vector<16xi32>
        %or3A_112 = arith.ori %lt3A_108, %ge3A_111 : vector<16xi1>
        %mul3A_113 = arith.constant 2048 : i32
        %mul3A_114 = vector.broadcast %mul3A_113 : i32 to vector<16xi32>
        %mul3A_115 = arith.muli %sub3A_105, %mul3A_114 : vector<16xi32>
        %add3A_116 = arith.addi %mul3A_115, %get3A_103 : vector<16xi32>
        %jit3A_117 = arith.constant 65536 : i32
        %broadcast_in_dim3A_118 = vector.broadcast %jit3A_117 : i32 to vector<16xi32>
        %select_n3A_119 = arith.select %or3A_112, %broadcast_in_dim3A_118, %add3A_116 : vector<16xi1>, vector<16xi32>
        tpu.vector_store_idx %arg8[%select_n3A_119], %broadcast_in_dim3A_1 {add = true} : memref<81920xf32, #tpu.memory_space<vmem>>[vector<16xi32>], vector<16xf32>,
        %get3A_120 = arith.constant 64 : index
        %get3A_121 = tpu.vector_load %arg9[%get3A_120] {strides = array<i32>} : memref<512xi32, #tpu.memory_space<vmem>>, vector<16xi32>,
        %get3A_122 = arith.constant 64 : index
        %get3A_123 = tpu.vector_load %arg10[%get3A_122] {strides = array<i32>} : memref<512xi32, #tpu.memory_space<vmem>>, vector<16xi32>,
        %sub3A_124 = vector.broadcast %mul3A_12 : i32 to vector<16xi32>
        %sub3A_125 = arith.subi %get3A_121, %sub3A_124 : vector<16xi32>
        %lt3A_126 = arith.constant 0 : i32
        %lt3A_127 = vector.broadcast %lt3A_126 : i32 to vector<16xi32>
        %lt3A_128 = arith.cmpi slt, %sub3A_125, %lt3A_127 : vector<16xi32>
        %ge3A_129 = arith.constant 32 : i32
        %ge3A_130 = vector.broadcast %ge3A_129 : i32 to vector<16xi32>
        %ge3A_131 = arith.cmpi sge, %sub3A_125, %ge3A_130 : vector<16xi32>
        %or3A_132 = arith.ori %lt3A_128, %ge3A_131 : vector<16xi1>
        %mul3A_133 = arith.constant 2048 : i32
        %mul3A_134 = vector.broadcast %mul3A_133 : i32 to vector<16xi32>
        %mul3A_135 = arith.muli %sub3A_125, %mul3A_134 : vector<16xi32>
        %add3A_136 = arith.addi %mul3A_135, %get3A_123 : vector<16xi32>
        %jit3A_137 = arith.constant 65536 : i32
        %broadcast_in_dim3A_138 = vector.broadcast %jit3A_137 : i32 to vector<16xi32>
        %select_n3A_139 = arith.select %or3A_132, %broadcast_in_dim3A_138, %add3A_136 : vector<16xi1>, vector<16xi32>
        tpu.vector_store_idx %arg8[%select_n3A_139], %broadcast_in_dim3A_1 {add = true} : memref<81920xf32, #tpu.memory_space<vmem>>[vector<16xi32>], vector<16xf32>,
        %get3A_140 = arith.constant 80 : index
        %get3A_141 = tpu.vector_load %arg9[%get3A_140] {strides = array<i32>} : memref<512xi32, #tpu.memory_space<vmem>>, vector<16xi32>,
        %get3A_142 = arith.constant 80 : index
        %get3A_143 = tpu.vector_load %arg10[%get3A_142] {strides = array<i32>} : memref<512xi32, #tpu.memory_space<vmem>>, vector<16xi32>,
        %sub3A_144 = vector.broadcast %mul3A_12 : i32 to vector<16xi32>
        %sub3A_145 = arith.subi %get3A_141, %sub3A_144 : vector<16xi32>
        %lt3A_146 = arith.constant 0 : i32
        %lt3A_147 = vector.broadcast %lt3A_146 : i32 to vector<16xi32>
        %lt3A_148 = arith.cmpi slt, %sub3A_145, %lt3A_147 : vector<16xi32>
        %ge3A_149 = arith.constant 32 : i32
        %ge3A_150 = vector.broadcast %ge3A_149 : i32 to vector<16xi32>
        %ge3A_151 = arith.cmpi sge, %sub3A_145, %ge3A_150 : vector<16xi32>
        %or3A_152 = arith.ori %lt3A_148, %ge3A_151 : vector<16xi1>
        %mul3A_153 = arith.constant 2048 : i32
        %mul3A_154 = vector.broadcast %mul3A_153 : i32 to vector<16xi32>
        %mul3A_155 = arith.muli %sub3A_145, %mul3A_154 : vector<16xi32>
        %add3A_156 = arith.addi %mul3A_155, %get3A_143 : vector<16xi32>
        %jit3A_157 = arith.constant 65536 : i32
        %broadcast_in_dim3A_158 = vector.broadcast %jit3A_157 : i32 to vector<16xi32>
        %select_n3A_159 = arith.select %or3A_152, %broadcast_in_dim3A_158, %add3A_156 : vector<16xi1>, vector<16xi32>
        tpu.vector_store_idx %arg8[%select_n3A_159], %broadcast_in_dim3A_1 {add = true} : memref<81920xf32, #tpu.memory_space<vmem>>[vector<16xi32>], vector<16xf32>,
        %get3A_160 = arith.constant 96 : index
        %get3A_161 = tpu.vector_load %arg9[%get3A_160] {strides = array<i32>} : memref<512xi32, #tpu.memory_space<vmem>>, vector<16xi32>,
        %get3A_162 = arith.constant 96 : index
        %get3A_163 = tpu.vector_load %arg10[%get3A_162] {strides = array<i32>} : memref<512xi32, #tpu.memory_space<vmem>>, vector<16xi32>,
        %sub3A_164 = vector.broadcast %mul3A_12 : i32 to vector<16xi32>
        %sub3A_165 = arith.subi %get3A_161, %sub3A_164 : vector<16xi32>
        %lt3A_166 = arith.constant 0 : i32
        %lt3A_167 = vector.broadcast %lt3A_166 : i32 to vector<16xi32>
        %lt3A_168 = arith.cmpi slt, %sub3A_165, %lt3A_167 : vector<16xi32>
        %ge3A_169 = arith.constant 32 : i32
        %ge3A_170 = vector.broadcast %ge3A_169 : i32 to vector<16xi32>
        %ge3A_171 = arith.cmpi sge, %sub3A_165, %ge3A_170 : vector<16xi32>
        %or3A_172 = arith.ori %lt3A_168, %ge3A_171 : vector<16xi1>
        %mul3A_173 = arith.constant 2048 : i32
        %mul3A_174 = vector.broadcast %mul3A_173 : i32 to vector<16xi32>
        %mul3A_175 = arith.muli %sub3A_165, %mul3A_174 : vector<16xi32>
        %add3A_176 = arith.addi %mul3A_175, %get3A_163 : vector<16xi32>
        %jit3A_177 = arith.constant 65536 : i32
        %broadcast_in_dim3A_178 = vector.broadcast %jit3A_177 : i32 to vector<16xi32>
        %select_n3A_179 = arith.select %or3A_172, %broadcast_in_dim3A_178, %add3A_176 : vector<16xi1>, vector<16xi32>
        tpu.vector_store_idx %arg8[%select_n3A_179], %broadcast_in_dim3A_1 {add = true} : memref<81920xf32, #tpu.memory_space<vmem>>[vector<16xi32>], vector<16xf32>,
        %get3A_180 = arith.constant 112 : index
        %get3A_181 = tpu.vector_load %arg9[%get3A_180] {strides = array<i32>} : memref<512xi32, #tpu.memory_space<vmem>>, vector<16xi32>,
        %get3A_182 = arith.constant 112 : index
        %get3A_183 = tpu.vector_load %arg10[%get3A_182] {strides = array<i32>} : memref<512xi32, #tpu.memory_space<vmem>>, vector<16xi32>,
        %sub3A_184 = vector.broadcast %mul3A_12 : i32 to vector<16xi32>
        %sub3A_185 = arith.subi %get3A_181, %sub3A_184 : vector<16xi32>
        %lt3A_186 = arith.constant 0 : i32
        %lt3A_187 = vector.broadcast %lt3A_186 : i32 to vector<16xi32>
        %lt3A_188 = arith.cmpi slt, %sub3A_185, %lt3A_187 : vector<16xi32>
        %ge3A_189 = arith.constant 32 : i32
        %ge3A_190 = vector.broadcast %ge3A_189 : i32 to vector<16xi32>
        %ge3A_191 = arith.cmpi sge, %sub3A_185, %ge3A_190 : vector<16xi32>
        %or3A_192 = arith.ori %lt3A_188, %ge3A_191 : vector<16xi1>
        %mul3A_193 = arith.constant 2048 : i32
        %mul3A_194 = vector.broadcast %mul3A_193 : i32 to vector<16xi32>
        %mul3A_195 = arith.muli %sub3A_185, %mul3A_194 : vector<16xi32>
        %add3A_196 = arith.addi %mul3A_195, %get3A_183 : vector<16xi32>
        %jit3A_197 = arith.constant 65536 : i32
        %broadcast_in_dim3A_198 = vector.broadcast %jit3A_197 : i32 to vector<16xi32>
        %select_n3A_199 = arith.select %or3A_192, %broadcast_in_dim3A_198, %add3A_196 : vector<16xi1>, vector<16xi32>
        tpu.vector_store_idx %arg8[%select_n3A_199], %broadcast_in_dim3A_1 {add = true} : memref<81920xf32, #tpu.memory_space<vmem>>[vector<16xi32>], vector<16xf32>,
        %get3A_200 = arith.constant 128 : index
        %get3A_201 = tpu.vector_load %arg9[%get3A_200] {strides = array<i32>} : memref<512xi32, #tpu.memory_space<vmem>>, vector<16xi32>,
        %get3A_202 = arith.constant 128 : index
        %get3A_203 = tpu.vector_load %arg10[%get3A_202] {strides = array<i32>} : memref<512xi32, #tpu.memory_space<vmem>>, vector<16xi32>,
        %sub3A_204 = vector.broadcast %mul3A_12 : i32 to vector<16xi32>
        %sub3A_205 = arith.subi %get3A_201, %sub3A_204 : vector<16xi32>
        %lt3A_206 = arith.constant 0 : i32
        %lt3A_207 = vector.broadcast %lt3A_206 : i32 to vector<16xi32>
        %lt3A_208 = arith.cmpi slt, %sub3A_205, %lt3A_207 : vector<16xi32>
        %ge3A_209 = arith.constant 32 : i32
        %ge3A_210 = vector.broadcast %ge3A_209 : i32 to vector<16xi32>
        %ge3A_211 = arith.cmpi sge, %sub3A_205, %ge3A_210 : vector<16xi32>
        %or3A_212 = arith.ori %lt3A_208, %ge3A_211 : vector<16xi1>
        %mul3A_213 = arith.constant 2048 : i32
        %mul3A_214 = vector.broadcast %mul3A_213 : i32 to vector<16xi32>
        %mul3A_215 = arith.muli %sub3A_205, %mul3A_214 : vector<16xi32>
        %add3A_216 = arith.addi %mul3A_215, %get3A_203 : vector<16xi32>
        %jit3A_217 = arith.constant 65536 : i32
        %broadcast_in_dim3A_218 = vector.broadcast %jit3A_217 : i32 to vector<16xi32>
        %select_n3A_219 = arith.select %or3A_212, %broadcast_in_dim3A_218, %add3A_216 : vector<16xi1>, vector<16xi32>
        tpu.vector_store_idx %arg8[%select_n3A_219], %broadcast_in_dim3A_1 {add = true} : memref<81920xf32, #tpu.memory_space<vmem>>[vector<16xi32>], vector<16xf32>,
        %get3A_220 = arith.constant 144 : index
        %get3A_221 = tpu.vector_load %arg9[%get3A_220] {strides = array<i32>} : memref<512xi32, #tpu.memory_space<vmem>>, vector<16xi32>,
        %get3A_222 = arith.constant 144 : index
        %get3A_223 = tpu.vector_load %arg10[%get3A_222] {strides = array<i32>} : memref<512xi32, #tpu.memory_space<vmem>>, vector<16xi32>,
        %sub3A_224 = vector.broadcast %mul3A_12 : i32 to vector<16xi32>
        %sub3A_225 = arith.subi %get3A_221, %sub3A_224 : vector<16xi32>
        %lt3A_226 = arith.constant 0 : i32
        %lt3A_227 = vector.broadcast %lt3A_226 : i32 to vector<16xi32>
        %lt3A_228 = arith.cmpi slt, %sub3A_225, %lt3A_227 : vector<16xi32>
        %ge3A_229 = arith.constant 32 : i32
        %ge3A_230 = vector.broadcast %ge3A_229 : i32 to vector<16xi32>
        %ge3A_231 = arith.cmpi sge, %sub3A_225, %ge3A_230 : vector<16xi32>
        %or3A_232 = arith.ori %lt3A_228, %ge3A_231 : vector<16xi1>
        %mul3A_233 = arith.constant 2048 : i32
        %mul3A_234 = vector.broadcast %mul3A_233 : i32 to vector<16xi32>
        %mul3A_235 = arith.muli %sub3A_225, %mul3A_234 : vector<16xi32>
        %add3A_236 = arith.addi %mul3A_235, %get3A_223 : vector<16xi32>
        %jit3A_237 = arith.constant 65536 : i32
        %broadcast_in_dim3A_238 = vector.broadcast %jit3A_237 : i32 to vector<16xi32>
        %select_n3A_239 = arith.select %or3A_232, %broadcast_in_dim3A_238, %add3A_236 : vector<16xi1>, vector<16xi32>
        tpu.vector_store_idx %arg8[%select_n3A_239], %broadcast_in_dim3A_1 {add = true} : memref<81920xf32, #tpu.memory_space<vmem>>[vector<16xi32>], vector<16xf32>,
        %get3A_240 = arith.constant 160 : index
        %get3A_241 = tpu.vector_load %arg9[%get3A_240] {strides = array<i32>} : memref<512xi32, #tpu.memory_space<vmem>>, vector<16xi32>,
        %get3A_242 = arith.constant 160 : index
        %get3A_243 = tpu.vector_load %arg10[%get3A_242] {strides = array<i32>} : memref<512xi32, #tpu.memory_space<vmem>>, vector<16xi32>,
        %sub3A_244 = vector.broadcast %mul3A_12 : i32 to vector<16xi32>
        %sub3A_245 = arith.subi %get3A_241, %sub3A_244 : vector<16xi32>
        %lt3A_246 = arith.constant 0 : i32
        %lt3A_247 = vector.broadcast %lt3A_246 : i32 to vector<16xi32>
        %lt3A_248 = arith.cmpi slt, %sub3A_245, %lt3A_247 : vector<16xi32>
        %ge3A_249 = arith.constant 32 : i32
        %ge3A_250 = vector.broadcast %ge3A_249 : i32 to vector<16xi32>
        %ge3A_251 = arith.cmpi sge, %sub3A_245, %ge3A_250 : vector<16xi32>
        %or3A_252 = arith.ori %lt3A_248, %ge3A_251 : vector<16xi1>
        %mul3A_253 = arith.constant 2048 : i32
        %mul3A_254 = vector.broadcast %mul3A_253 : i32 to vector<16xi32>
        %mul3A_255 = arith.muli %sub3A_245, %mul3A_254 : vector<16xi32>
        %add3A_256 = arith.addi %mul3A_255, %get3A_243 : vector<16xi32>
        %jit3A_257 = arith.constant 65536 : i32
        %broadcast_in_dim3A_258 = vector.broadcast %jit3A_257 : i32 to vector<16xi32>
        %select_n3A_259 = arith.select %or3A_252, %broadcast_in_dim3A_258, %add3A_256 : vector<16xi1>, vector<16xi32>
        tpu.vector_store_idx %arg8[%select_n3A_259], %broadcast_in_dim3A_1 {add = true} : memref<81920xf32, #tpu.memory_space<vmem>>[vector<16xi32>], vector<16xf32>,
        %get3A_260 = arith.constant 176 : index
        %get3A_261 = tpu.vector_load %arg9[%get3A_260] {strides = array<i32>} : memref<512xi32, #tpu.memory_space<vmem>>, vector<16xi32>,
        %get3A_262 = arith.constant 176 : index
        %get3A_263 = tpu.vector_load %arg10[%get3A_262] {strides = array<i32>} : memref<512xi32, #tpu.memory_space<vmem>>, vector<16xi32>,
        %sub3A_264 = vector.broadcast %mul3A_12 : i32 to vector<16xi32>
        %sub3A_265 = arith.subi %get3A_261, %sub3A_264 : vector<16xi32>
        %lt3A_266 = arith.constant 0 : i32
        %lt3A_267 = vector.broadcast %lt3A_266 : i32 to vector<16xi32>
        %lt3A_268 = arith.cmpi slt, %sub3A_265, %lt3A_267 : vector<16xi32>
        %ge3A_269 = arith.constant 32 : i32
        %ge3A_270 = vector.broadcast %ge3A_269 : i32 to vector<16xi32>
        %ge3A_271 = arith.cmpi sge, %sub3A_265, %ge3A_270 : vector<16xi32>
        %or3A_272 = arith.ori %lt3A_268, %ge3A_271 : vector<16xi1>
        %mul3A_273 = arith.constant 2048 : i32
        %mul3A_274 = vector.broadcast %mul3A_273 : i32 to vector<16xi32>
        %mul3A_275 = arith.muli %sub3A_265, %mul3A_274 : vector<16xi32>
        %add3A_276 = arith.addi %mul3A_275, %get3A_263 : vector<16xi32>
        %jit3A_277 = arith.constant 65536 : i32
        %broadcast_in_dim3A_278 = vector.broadcast %jit3A_277 : i32 to vector<16xi32>
        %select_n3A_279 = arith.select %or3A_272, %broadcast_in_dim3A_278, %add3A_276 : vector<16xi1>, vector<16xi32>
        tpu.vector_store_idx %arg8[%select_n3A_279], %broadcast_in_dim3A_1 {add = true} : memref<81920xf32, #tpu.memory_space<vmem>>[vector<16xi32>], vector<16xf32>,
        %get3A_280 = arith.constant 192 : index
        %get3A_281 = tpu.vector_load %arg9[%get3A_280] {strides = array<i32>} : memref<512xi32, #tpu.memory_space<vmem>>, vector<16xi32>,
        %get3A_282 = arith.constant 192 : index
        %get3A_283 = tpu.vector_load %arg10[%get3A_282] {strides = array<i32>} : memref<512xi32, #tpu.memory_space<vmem>>, vector<16xi32>,
        %sub3A_284 = vector.broadcast %mul3A_12 : i32 to vector<16xi32>
        %sub3A_285 = arith.subi %get3A_281, %sub3A_284 : vector<16xi32>
        %lt3A_286 = arith.constant 0 : i32
        %lt3A_287 = vector.broadcast %lt3A_286 : i32 to vector<16xi32>
        %lt3A_288 = arith.cmpi slt, %sub3A_285, %lt3A_287 : vector<16xi32>
        %ge3A_289 = arith.constant 32 : i32
        %ge3A_290 = vector.broadcast %ge3A_289 : i32 to vector<16xi32>
        %ge3A_291 = arith.cmpi sge, %sub3A_285, %ge3A_290 : vector<16xi32>
        %or3A_292 = arith.ori %lt3A_288, %ge3A_291 : vector<16xi1>
        %mul3A_293 = arith.constant 2048 : i32
        %mul3A_294 = vector.broadcast %mul3A_293 : i32 to vector<16xi32>
        %mul3A_295 = arith.muli %sub3A_285, %mul3A_294 : vector<16xi32>
        %add3A_296 = arith.addi %mul3A_295, %get3A_283 : vector<16xi32>
        %jit3A_297 = arith.constant 65536 : i32
        %broadcast_in_dim3A_298 = vector.broadcast %jit3A_297 : i32 to vector<16xi32>
        %select_n3A_299 = arith.select %or3A_292, %broadcast_in_dim3A_298, %add3A_296 : vector<16xi1>, vector<16xi32>
        tpu.vector_store_idx %arg8[%select_n3A_299], %broadcast_in_dim3A_1 {add = true} : memref<81920xf32, #tpu.memory_space<vmem>>[vector<16xi32>], vector<16xf32>,
        %get3A_300 = arith.constant 208 : index
        %get3A_301 = tpu.vector_load %arg9[%get3A_300] {strides = array<i32>} : memref<512xi32, #tpu.memory_space<vmem>>, vector<16xi32>,
        %get3A_302 = arith.constant 208 : index
        %get3A_303 = tpu.vector_load %arg10[%get3A_302] {strides = array<i32>} : memref<512xi32, #tpu.memory_space<vmem>>, vector<16xi32>,
        %sub3A_304 = vector.broadcast %mul3A_12 : i32 to vector<16xi32>
        %sub3A_305 = arith.subi %get3A_301, %sub3A_304 : vector<16xi32>
        %lt3A_306 = arith.constant 0 : i32
        %lt3A_307 = vector.broadcast %lt3A_306 : i32 to vector<16xi32>
        %lt3A_308 = arith.cmpi slt, %sub3A_305, %lt3A_307 : vector<16xi32>
        %ge3A_309 = arith.constant 32 : i32
        %ge3A_310 = vector.broadcast %ge3A_309 : i32 to vector<16xi32>
        %ge3A_311 = arith.cmpi sge, %sub3A_305, %ge3A_310 : vector<16xi32>
        %or3A_312 = arith.ori %lt3A_308, %ge3A_311 : vector<16xi1>
        %mul3A_313 = arith.constant 2048 : i32
        %mul3A_314 = vector.broadcast %mul3A_313 : i32 to vector<16xi32>
        %mul3A_315 = arith.muli %sub3A_305, %mul3A_314 : vector<16xi32>
        %add3A_316 = arith.addi %mul3A_315, %get3A_303 : vector<16xi32>
        %jit3A_317 = arith.constant 65536 : i32
        %broadcast_in_dim3A_318 = vector.broadcast %jit3A_317 : i32 to vector<16xi32>
        %select_n3A_319 = arith.select %or3A_312, %broadcast_in_dim3A_318, %add3A_316 : vector<16xi1>, vector<16xi32>
        tpu.vector_store_idx %arg8[%select_n3A_319], %broadcast_in_dim3A_1 {add = true} : memref<81920xf32, #tpu.memory_space<vmem>>[vector<16xi32>], vector<16xf32>,
        %get3A_320 = arith.constant 224 : index
        %get3A_321 = tpu.vector_load %arg9[%get3A_320] {strides = array<i32>} : memref<512xi32, #tpu.memory_space<vmem>>, vector<16xi32>,
        %get3A_322 = arith.constant 224 : index
        %get3A_323 = tpu.vector_load %arg10[%get3A_322] {strides = array<i32>} : memref<512xi32, #tpu.memory_space<vmem>>, vector<16xi32>,
        %sub3A_324 = vector.broadcast %mul3A_12 : i32 to vector<16xi32>
        %sub3A_325 = arith.subi %get3A_321, %sub3A_324 : vector<16xi32>
        %lt3A_326 = arith.constant 0 : i32
        %lt3A_327 = vector.broadcast %lt3A_326 : i32 to vector<16xi32>
        %lt3A_328 = arith.cmpi slt, %sub3A_325, %lt3A_327 : vector<16xi32>
        %ge3A_329 = arith.constant 32 : i32
        %ge3A_330 = vector.broadcast %ge3A_329 : i32 to vector<16xi32>
        %ge3A_331 = arith.cmpi sge, %sub3A_325, %ge3A_330 : vector<16xi32>
        %or3A_332 = arith.ori %lt3A_328, %ge3A_331 : vector<16xi1>
        %mul3A_333 = arith.constant 2048 : i32
        %mul3A_334 = vector.broadcast %mul3A_333 : i32 to vector<16xi32>
        %mul3A_335 = arith.muli %sub3A_325, %mul3A_334 : vector<16xi32>
        %add3A_336 = arith.addi %mul3A_335, %get3A_323 : vector<16xi32>
        %jit3A_337 = arith.constant 65536 : i32
        %broadcast_in_dim3A_338 = vector.broadcast %jit3A_337 : i32 to vector<16xi32>
        %select_n3A_339 = arith.select %or3A_332, %broadcast_in_dim3A_338, %add3A_336 : vector<16xi1>, vector<16xi32>
        tpu.vector_store_idx %arg8[%select_n3A_339], %broadcast_in_dim3A_1 {add = true} : memref<81920xf32, #tpu.memory_space<vmem>>[vector<16xi32>], vector<16xf32>,
        %get3A_340 = arith.constant 240 : index
        %get3A_341 = tpu.vector_load %arg9[%get3A_340] {strides = array<i32>} : memref<512xi32, #tpu.memory_space<vmem>>, vector<16xi32>,
        %get3A_342 = arith.constant 240 : index
        %get3A_343 = tpu.vector_load %arg10[%get3A_342] {strides = array<i32>} : memref<512xi32, #tpu.memory_space<vmem>>, vector<16xi32>,
        %sub3A_344 = vector.broadcast %mul3A_12 : i32 to vector<16xi32>
        %sub3A_345 = arith.subi %get3A_341, %sub3A_344 : vector<16xi32>
        %lt3A_346 = arith.constant 0 : i32
        %lt3A_347 = vector.broadcast %lt3A_346 : i32 to vector<16xi32>
        %lt3A_348 = arith.cmpi slt, %sub3A_345, %lt3A_347 : vector<16xi32>
        %ge3A_349 = arith.constant 32 : i32
        %ge3A_350 = vector.broadcast %ge3A_349 : i32 to vector<16xi32>
        %ge3A_351 = arith.cmpi sge, %sub3A_345, %ge3A_350 : vector<16xi32>
        %or3A_352 = arith.ori %lt3A_348, %ge3A_351 : vector<16xi1>
        %mul3A_353 = arith.constant 2048 : i32
        %mul3A_354 = vector.broadcast %mul3A_353 : i32 to vector<16xi32>
        %mul3A_355 = arith.muli %sub3A_345, %mul3A_354 : vector<16xi32>
        %add3A_356 = arith.addi %mul3A_355, %get3A_343 : vector<16xi32>
        %jit3A_357 = arith.constant 65536 : i32
        %broadcast_in_dim3A_358 = vector.broadcast %jit3A_357 : i32 to vector<16xi32>
        %select_n3A_359 = arith.select %or3A_352, %broadcast_in_dim3A_358, %add3A_356 : vector<16xi1>, vector<16xi32>
        tpu.vector_store_idx %arg8[%select_n3A_359], %broadcast_in_dim3A_1 {add = true} : memref<81920xf32, #tpu.memory_space<vmem>>[vector<16xi32>], vector<16xf32>,
        %get3A_360 = arith.constant 256 : index
        %get3A_361 = tpu.vector_load %arg9[%get3A_360] {strides = array<i32>} : memref<512xi32, #tpu.memory_space<vmem>>, vector<16xi32>,
        %get3A_362 = arith.constant 256 : index
        %get3A_363 = tpu.vector_load %arg10[%get3A_362] {strides = array<i32>} : memref<512xi32, #tpu.memory_space<vmem>>, vector<16xi32>,
        %sub3A_364 = vector.broadcast %mul3A_12 : i32 to vector<16xi32>
        %sub3A_365 = arith.subi %get3A_361, %sub3A_364 : vector<16xi32>
        %lt3A_366 = arith.constant 0 : i32
        %lt3A_367 = vector.broadcast %lt3A_366 : i32 to vector<16xi32>
        %lt3A_368 = arith.cmpi slt, %sub3A_365, %lt3A_367 : vector<16xi32>
        %ge3A_369 = arith.constant 32 : i32
        %ge3A_370 = vector.broadcast %ge3A_369 : i32 to vector<16xi32>
        %ge3A_371 = arith.cmpi sge, %sub3A_365, %ge3A_370 : vector<16xi32>
        %or3A_372 = arith.ori %lt3A_368, %ge3A_371 : vector<16xi1>
        %mul3A_373 = arith.constant 2048 : i32
        %mul3A_374 = vector.broadcast %mul3A_373 : i32 to vector<16xi32>
        %mul3A_375 = arith.muli %sub3A_365, %mul3A_374 : vector<16xi32>
        %add3A_376 = arith.addi %mul3A_375, %get3A_363 : vector<16xi32>
        %jit3A_377 = arith.constant 65536 : i32
        %broadcast_in_dim3A_378 = vector.broadcast %jit3A_377 : i32 to vector<16xi32>
        %select_n3A_379 = arith.select %or3A_372, %broadcast_in_dim3A_378, %add3A_376 : vector<16xi1>, vector<16xi32>
        tpu.vector_store_idx %arg8[%select_n3A_379], %broadcast_in_dim3A_1 {add = true} : memref<81920xf32, #tpu.memory_space<vmem>>[vector<16xi32>], vector<16xf32>,
        %get3A_380 = arith.constant 272 : index
        %get3A_381 = tpu.vector_load %arg9[%get3A_380] {strides = array<i32>} : memref<512xi32, #tpu.memory_space<vmem>>, vector<16xi32>,
        %get3A_382 = arith.constant 272 : index
        %get3A_383 = tpu.vector_load %arg10[%get3A_382] {strides = array<i32>} : memref<512xi32, #tpu.memory_space<vmem>>, vector<16xi32>,
        %sub3A_384 = vector.broadcast %mul3A_12 : i32 to vector<16xi32>
        %sub3A_385 = arith.subi %get3A_381, %sub3A_384 : vector<16xi32>
        %lt3A_386 = arith.constant 0 : i32
        %lt3A_387 = vector.broadcast %lt3A_386 : i32 to vector<16xi32>
        %lt3A_388 = arith.cmpi slt, %sub3A_385, %lt3A_387 : vector<16xi32>
        %ge3A_389 = arith.constant 32 : i32
        %ge3A_390 = vector.broadcast %ge3A_389 : i32 to vector<16xi32>
        %ge3A_391 = arith.cmpi sge, %sub3A_385, %ge3A_390 : vector<16xi32>
        %or3A_392 = arith.ori %lt3A_388, %ge3A_391 : vector<16xi1>
        %mul3A_393 = arith.constant 2048 : i32
        %mul3A_394 = vector.broadcast %mul3A_393 : i32 to vector<16xi32>
        %mul3A_395 = arith.muli %sub3A_385, %mul3A_394 : vector<16xi32>
        %add3A_396 = arith.addi %mul3A_395, %get3A_383 : vector<16xi32>
        %jit3A_397 = arith.constant 65536 : i32
        %broadcast_in_dim3A_398 = vector.broadcast %jit3A_397 : i32 to vector<16xi32>
        %select_n3A_399 = arith.select %or3A_392, %broadcast_in_dim3A_398, %add3A_396 : vector<16xi1>, vector<16xi32>
        tpu.vector_store_idx %arg8[%select_n3A_399], %broadcast_in_dim3A_1 {add = true} : memref<81920xf32, #tpu.memory_space<vmem>>[vector<16xi32>], vector<16xf32>,
        %get3A_400 = arith.constant 288 : index
        %get3A_401 = tpu.vector_load %arg9[%get3A_400] {strides = array<i32>} : memref<512xi32, #tpu.memory_space<vmem>>, vector<16xi32>,
        %get3A_402 = arith.constant 288 : index
        %get3A_403 = tpu.vector_load %arg10[%get3A_402] {strides = array<i32>} : memref<512xi32, #tpu.memory_space<vmem>>, vector<16xi32>,
        %sub3A_404 = vector.broadcast %mul3A_12 : i32 to vector<16xi32>
        %sub3A_405 = arith.subi %get3A_401, %sub3A_404 : vector<16xi32>
        %lt3A_406 = arith.constant 0 : i32
        %lt3A_407 = vector.broadcast %lt3A_406 : i32 to vector<16xi32>
        %lt3A_408 = arith.cmpi slt, %sub3A_405, %lt3A_407 : vector<16xi32>
        %ge3A_409 = arith.constant 32 : i32
        %ge3A_410 = vector.broadcast %ge3A_409 : i32 to vector<16xi32>
        %ge3A_411 = arith.cmpi sge, %sub3A_405, %ge3A_410 : vector<16xi32>
        %or3A_412 = arith.ori %lt3A_408, %ge3A_411 : vector<16xi1>
        %mul3A_413 = arith.constant 2048 : i32
        %mul3A_414 = vector.broadcast %mul3A_413 : i32 to vector<16xi32>
        %mul3A_415 = arith.muli %sub3A_405, %mul3A_414 : vector<16xi32>
        %add3A_416 = arith.addi %mul3A_415, %get3A_403 : vector<16xi32>
        %jit3A_417 = arith.constant 65536 : i32
        %broadcast_in_dim3A_418 = vector.broadcast %jit3A_417 : i32 to vector<16xi32>
        %select_n3A_419 = arith.select %or3A_412, %broadcast_in_dim3A_418, %add3A_416 : vector<16xi1>, vector<16xi32>
        tpu.vector_store_idx %arg8[%select_n3A_419], %broadcast_in_dim3A_1 {add = true} : memref<81920xf32, #tpu.memory_space<vmem>>[vector<16xi32>], vector<16xf32>,
        %get3A_420 = arith.constant 304 : index
        %get3A_421 = tpu.vector_load %arg9[%get3A_420] {strides = array<i32>} : memref<512xi32, #tpu.memory_space<vmem>>, vector<16xi32>,
        %get3A_422 = arith.constant 304 : index
        %get3A_423 = tpu.vector_load %arg10[%get3A_422] {strides = array<i32>} : memref<512xi32, #tpu.memory_space<vmem>>, vector<16xi32>,
        %sub3A_424 = vector.broadcast %mul3A_12 : i32 to vector<16xi32>
        %sub3A_425 = arith.subi %get3A_421, %sub3A_424 : vector<16xi32>
        %lt3A_426 = arith.constant 0 : i32
        %lt3A_427 = vector.broadcast %lt3A_426 : i32 to vector<16xi32>
        %lt3A_428 = arith.cmpi slt, %sub3A_425, %lt3A_427 : vector<16xi32>
        %ge3A_429 = arith.constant 32 : i32
        %ge3A_430 = vector.broadcast %ge3A_429 : i32 to vector<16xi32>
        %ge3A_431 = arith.cmpi sge, %sub3A_425, %ge3A_430 : vector<16xi32>
        %or3A_432 = arith.ori %lt3A_428, %ge3A_431 : vector<16xi1>
        %mul3A_433 = arith.constant 2048 : i32
        %mul3A_434 = vector.broadcast %mul3A_433 : i32 to vector<16xi32>
        %mul3A_435 = arith.muli %sub3A_425, %mul3A_434 : vector<16xi32>
        %add3A_436 = arith.addi %mul3A_435, %get3A_423 : vector<16xi32>
        %jit3A_437 = arith.constant 65536 : i32
        %broadcast_in_dim3A_438 = vector.broadcast %jit3A_437 : i32 to vector<16xi32>
        %select_n3A_439 = arith.select %or3A_432, %broadcast_in_dim3A_438, %add3A_436 : vector<16xi1>, vector<16xi32>
        tpu.vector_store_idx %arg8[%select_n3A_439], %broadcast_in_dim3A_1 {add = true} : memref<81920xf32, #tpu.memory_space<vmem>>[vector<16xi32>], vector<16xf32>,
        %get3A_440 = arith.constant 320 : index
        %get3A_441 = tpu.vector_load %arg9[%get3A_440] {strides = array<i32>} : memref<512xi32, #tpu.memory_space<vmem>>, vector<16xi32>,
        %get3A_442 = arith.constant 320 : index
        %get3A_443 = tpu.vector_load %arg10[%get3A_442] {strides = array<i32>} : memref<512xi32, #tpu.memory_space<vmem>>, vector<16xi32>,
        %sub3A_444 = vector.broadcast %mul3A_12 : i32 to vector<16xi32>
        %sub3A_445 = arith.subi %get3A_441, %sub3A_444 : vector<16xi32>
        %lt3A_446 = arith.constant 0 : i32
        %lt3A_447 = vector.broadcast %lt3A_446 : i32 to vector<16xi32>
        %lt3A_448 = arith.cmpi slt, %sub3A_445, %lt3A_447 : vector<16xi32>
        %ge3A_449 = arith.constant 32 : i32
        %ge3A_450 = vector.broadcast %ge3A_449 : i32 to vector<16xi32>
        %ge3A_451 = arith.cmpi sge, %sub3A_445, %ge3A_450 : vector<16xi32>
        %or3A_452 = arith.ori %lt3A_448, %ge3A_451 : vector<16xi1>
        %mul3A_453 = arith.constant 2048 : i32
        %mul3A_454 = vector.broadcast %mul3A_453 : i32 to vector<16xi32>
        %mul3A_455 = arith.muli %sub3A_445, %mul3A_454 : vector<16xi32>
        %add3A_456 = arith.addi %mul3A_455, %get3A_443 : vector<16xi32>
        %jit3A_457 = arith.constant 65536 : i32
        %broadcast_in_dim3A_458 = vector.broadcast %jit3A_457 : i32 to vector<16xi32>
        %select_n3A_459 = arith.select %or3A_452, %broadcast_in_dim3A_458, %add3A_456 : vector<16xi1>, vector<16xi32>
        tpu.vector_store_idx %arg8[%select_n3A_459], %broadcast_in_dim3A_1 {add = true} : memref<81920xf32, #tpu.memory_space<vmem>>[vector<16xi32>], vector<16xf32>,
        %get3A_460 = arith.constant 336 : index
        %get3A_461 = tpu.vector_load %arg9[%get3A_460] {strides = array<i32>} : memref<512xi32, #tpu.memory_space<vmem>>, vector<16xi32>,
        %get3A_462 = arith.constant 336 : index
        %get3A_463 = tpu.vector_load %arg10[%get3A_462] {strides = array<i32>} : memref<512xi32, #tpu.memory_space<vmem>>, vector<16xi32>,
        %sub3A_464 = vector.broadcast %mul3A_12 : i32 to vector<16xi32>
        %sub3A_465 = arith.subi %get3A_461, %sub3A_464 : vector<16xi32>
        %lt3A_466 = arith.constant 0 : i32
        %lt3A_467 = vector.broadcast %lt3A_466 : i32 to vector<16xi32>
        %lt3A_468 = arith.cmpi slt, %sub3A_465, %lt3A_467 : vector<16xi32>
        %ge3A_469 = arith.constant 32 : i32
        %ge3A_470 = vector.broadcast %ge3A_469 : i32 to vector<16xi32>
        %ge3A_471 = arith.cmpi sge, %sub3A_465, %ge3A_470 : vector<16xi32>
        %or3A_472 = arith.ori %lt3A_468, %ge3A_471 : vector<16xi1>
        %mul3A_473 = arith.constant 2048 : i32
        %mul3A_474 = vector.broadcast %mul3A_473 : i32 to vector<16xi32>
        %mul3A_475 = arith.muli %sub3A_465, %mul3A_474 : vector<16xi32>
        %add3A_476 = arith.addi %mul3A_475, %get3A_463 : vector<16xi32>
        %jit3A_477 = arith.constant 65536 : i32
        %broadcast_in_dim3A_478 = vector.broadcast %jit3A_477 : i32 to vector<16xi32>
        %select_n3A_479 = arith.select %or3A_472, %broadcast_in_dim3A_478, %add3A_476 : vector<16xi1>, vector<16xi32>
        tpu.vector_store_idx %arg8[%select_n3A_479], %broadcast_in_dim3A_1 {add = true} : memref<81920xf32, #tpu.memory_space<vmem>>[vector<16xi32>], vector<16xf32>,
        %get3A_480 = arith.constant 352 : index
        %get3A_481 = tpu.vector_load %arg9[%get3A_480] {strides = array<i32>} : memref<512xi32, #tpu.memory_space<vmem>>, vector<16xi32>,
        %get3A_482 = arith.constant 352 : index
        %get3A_483 = tpu.vector_load %arg10[%get3A_482] {strides = array<i32>} : memref<512xi32, #tpu.memory_space<vmem>>, vector<16xi32>,
        %sub3A_484 = vector.broadcast %mul3A_12 : i32 to vector<16xi32>
        %sub3A_485 = arith.subi %get3A_481, %sub3A_484 : vector<16xi32>
        %lt3A_486 = arith.constant 0 : i32
        %lt3A_487 = vector.broadcast %lt3A_486 : i32 to vector<16xi32>
        %lt3A_488 = arith.cmpi slt, %sub3A_485, %lt3A_487 : vector<16xi32>
        %ge3A_489 = arith.constant 32 : i32
        %ge3A_490 = vector.broadcast %ge3A_489 : i32 to vector<16xi32>
        %ge3A_491 = arith.cmpi sge, %sub3A_485, %ge3A_490 : vector<16xi32>
        %or3A_492 = arith.ori %lt3A_488, %ge3A_491 : vector<16xi1>
        %mul3A_493 = arith.constant 2048 : i32
        %mul3A_494 = vector.broadcast %mul3A_493 : i32 to vector<16xi32>
        %mul3A_495 = arith.muli %sub3A_485, %mul3A_494 : vector<16xi32>
        %add3A_496 = arith.addi %mul3A_495, %get3A_483 : vector<16xi32>
        %jit3A_497 = arith.constant 65536 : i32
        %broadcast_in_dim3A_498 = vector.broadcast %jit3A_497 : i32 to vector<16xi32>
        %select_n3A_499 = arith.select %or3A_492, %broadcast_in_dim3A_498, %add3A_496 : vector<16xi1>, vector<16xi32>
        tpu.vector_store_idx %arg8[%select_n3A_499], %broadcast_in_dim3A_1 {add = true} : memref<81920xf32, #tpu.memory_space<vmem>>[vector<16xi32>], vector<16xf32>,
        %get3A_500 = arith.constant 368 : index
        %get3A_501 = tpu.vector_load %arg9[%get3A_500] {strides = array<i32>} : memref<512xi32, #tpu.memory_space<vmem>>, vector<16xi32>,
        %get3A_502 = arith.constant 368 : index
        %get3A_503 = tpu.vector_load %arg10[%get3A_502] {strides = array<i32>} : memref<512xi32, #tpu.memory_space<vmem>>, vector<16xi32>,
        %sub3A_504 = vector.broadcast %mul3A_12 : i32 to vector<16xi32>
        %sub3A_505 = arith.subi %get3A_501, %sub3A_504 : vector<16xi32>
        %lt3A_506 = arith.constant 0 : i32
        %lt3A_507 = vector.broadcast %lt3A_506 : i32 to vector<16xi32>
        %lt3A_508 = arith.cmpi slt, %sub3A_505, %lt3A_507 : vector<16xi32>
        %ge3A_509 = arith.constant 32 : i32
        %ge3A_510 = vector.broadcast %ge3A_509 : i32 to vector<16xi32>
        %ge3A_511 = arith.cmpi sge, %sub3A_505, %ge3A_510 : vector<16xi32>
        %or3A_512 = arith.ori %lt3A_508, %ge3A_511 : vector<16xi1>
        %mul3A_513 = arith.constant 2048 : i32
        %mul3A_514 = vector.broadcast %mul3A_513 : i32 to vector<16xi32>
        %mul3A_515 = arith.muli %sub3A_505, %mul3A_514 : vector<16xi32>
        %add3A_516 = arith.addi %mul3A_515, %get3A_503 : vector<16xi32>
        %jit3A_517 = arith.constant 65536 : i32
        %broadcast_in_dim3A_518 = vector.broadcast %jit3A_517 : i32 to vector<16xi32>
        %select_n3A_519 = arith.select %or3A_512, %broadcast_in_dim3A_518, %add3A_516 : vector<16xi1>, vector<16xi32>
        tpu.vector_store_idx %arg8[%select_n3A_519], %broadcast_in_dim3A_1 {add = true} : memref<81920xf32, #tpu.memory_space<vmem>>[vector<16xi32>], vector<16xf32>,
        %get3A_520 = arith.constant 384 : index
        %get3A_521 = tpu.vector_load %arg9[%get3A_520] {strides = array<i32>} : memref<512xi32, #tpu.memory_space<vmem>>, vector<16xi32>,
        %get3A_522 = arith.constant 384 : index
        %get3A_523 = tpu.vector_load %arg10[%get3A_522] {strides = array<i32>} : memref<512xi32, #tpu.memory_space<vmem>>, vector<16xi32>,
        %sub3A_524 = vector.broadcast %mul3A_12 : i32 to vector<16xi32>
        %sub3A_525 = arith.subi %get3A_521, %sub3A_524 : vector<16xi32>
        %lt3A_526 = arith.constant 0 : i32
        %lt3A_527 = vector.broadcast %lt3A_526 : i32 to vector<16xi32>
        %lt3A_528 = arith.cmpi slt, %sub3A_525, %lt3A_527 : vector<16xi32>
        %ge3A_529 = arith.constant 32 : i32
        %ge3A_530 = vector.broadcast %ge3A_529 : i32 to vector<16xi32>
        %ge3A_531 = arith.cmpi sge, %sub3A_525, %ge3A_530 : vector<16xi32>
        %or3A_532 = arith.ori %lt3A_528, %ge3A_531 : vector<16xi1>
        %mul3A_533 = arith.constant 2048 : i32
        %mul3A_534 = vector.broadcast %mul3A_533 : i32 to vector<16xi32>
        %mul3A_535 = arith.muli %sub3A_525, %mul3A_534 : vector<16xi32>
        %add3A_536 = arith.addi %mul3A_535, %get3A_523 : vector<16xi32>
        %jit3A_537 = arith.constant 65536 : i32
        %broadcast_in_dim3A_538 = vector.broadcast %jit3A_537 : i32 to vector<16xi32>
        %select_n3A_539 = arith.select %or3A_532, %broadcast_in_dim3A_538, %add3A_536 : vector<16xi1>, vector<16xi32>
        tpu.vector_store_idx %arg8[%select_n3A_539], %broadcast_in_dim3A_1 {add = true} : memref<81920xf32, #tpu.memory_space<vmem>>[vector<16xi32>], vector<16xf32>,
        %get3A_540 = arith.constant 400 : index
        %get3A_541 = tpu.vector_load %arg9[%get3A_540] {strides = array<i32>} : memref<512xi32, #tpu.memory_space<vmem>>, vector<16xi32>,
        %get3A_542 = arith.constant 400 : index
        %get3A_543 = tpu.vector_load %arg10[%get3A_542] {strides = array<i32>} : memref<512xi32, #tpu.memory_space<vmem>>, vector<16xi32>,
        %sub3A_544 = vector.broadcast %mul3A_12 : i32 to vector<16xi32>
        %sub3A_545 = arith.subi %get3A_541, %sub3A_544 : vector<16xi32>
        %lt3A_546 = arith.constant 0 : i32
        %lt3A_547 = vector.broadcast %lt3A_546 : i32 to vector<16xi32>
        %lt3A_548 = arith.cmpi slt, %sub3A_545, %lt3A_547 : vector<16xi32>
        %ge3A_549 = arith.constant 32 : i32
        %ge3A_550 = vector.broadcast %ge3A_549 : i32 to vector<16xi32>
        %ge3A_551 = arith.cmpi sge, %sub3A_545, %ge3A_550 : vector<16xi32>
        %or3A_552 = arith.ori %lt3A_548, %ge3A_551 : vector<16xi1>
        %mul3A_553 = arith.constant 2048 : i32
        %mul3A_554 = vector.broadcast %mul3A_553 : i32 to vector<16xi32>
        %mul3A_555 = arith.muli %sub3A_545, %mul3A_554 : vector<16xi32>
        %add3A_556 = arith.addi %mul3A_555, %get3A_543 : vector<16xi32>
        %jit3A_557 = arith.constant 65536 : i32
        %broadcast_in_dim3A_558 = vector.broadcast %jit3A_557 : i32 to vector<16xi32>
        %select_n3A_559 = arith.select %or3A_552, %broadcast_in_dim3A_558, %add3A_556 : vector<16xi1>, vector<16xi32>
        tpu.vector_store_idx %arg8[%select_n3A_559], %broadcast_in_dim3A_1 {add = true} : memref<81920xf32, #tpu.memory_space<vmem>>[vector<16xi32>], vector<16xf32>,
        %get3A_560 = arith.constant 416 : index
        %get3A_561 = tpu.vector_load %arg9[%get3A_560] {strides = array<i32>} : memref<512xi32, #tpu.memory_space<vmem>>, vector<16xi32>,
        %get3A_562 = arith.constant 416 : index
        %get3A_563 = tpu.vector_load %arg10[%get3A_562] {strides = array<i32>} : memref<512xi32, #tpu.memory_space<vmem>>, vector<16xi32>,
        %sub3A_564 = vector.broadcast %mul3A_12 : i32 to vector<16xi32>
        %sub3A_565 = arith.subi %get3A_561, %sub3A_564 : vector<16xi32>
        %lt3A_566 = arith.constant 0 : i32
        %lt3A_567 = vector.broadcast %lt3A_566 : i32 to vector<16xi32>
        %lt3A_568 = arith.cmpi slt, %sub3A_565, %lt3A_567 : vector<16xi32>
        %ge3A_569 = arith.constant 32 : i32
        %ge3A_570 = vector.broadcast %ge3A_569 : i32 to vector<16xi32>
        %ge3A_571 = arith.cmpi sge, %sub3A_565, %ge3A_570 : vector<16xi32>
        %or3A_572 = arith.ori %lt3A_568, %ge3A_571 : vector<16xi1>
        %mul3A_573 = arith.constant 2048 : i32
        %mul3A_574 = vector.broadcast %mul3A_573 : i32 to vector<16xi32>
        %mul3A_575 = arith.muli %sub3A_565, %mul3A_574 : vector<16xi32>
        %add3A_576 = arith.addi %mul3A_575, %get3A_563 : vector<16xi32>
        %jit3A_577 = arith.constant 65536 : i32
        %broadcast_in_dim3A_578 = vector.broadcast %jit3A_577 : i32 to vector<16xi32>
        %select_n3A_579 = arith.select %or3A_572, %broadcast_in_dim3A_578, %add3A_576 : vector<16xi1>, vector<16xi32>
        tpu.vector_store_idx %arg8[%select_n3A_579], %broadcast_in_dim3A_1 {add = true} : memref<81920xf32, #tpu.memory_space<vmem>>[vector<16xi32>], vector<16xf32>,
        %get3A_580 = arith.constant 432 : index
        %get3A_581 = tpu.vector_load %arg9[%get3A_580] {strides = array<i32>} : memref<512xi32, #tpu.memory_space<vmem>>, vector<16xi32>,
        %get3A_582 = arith.constant 432 : index
        %get3A_583 = tpu.vector_load %arg10[%get3A_582] {strides = array<i32>} : memref<512xi32, #tpu.memory_space<vmem>>, vector<16xi32>,
        %sub3A_584 = vector.broadcast %mul3A_12 : i32 to vector<16xi32>
        %sub3A_585 = arith.subi %get3A_581, %sub3A_584 : vector<16xi32>
        %lt3A_586 = arith.constant 0 : i32
        %lt3A_587 = vector.broadcast %lt3A_586 : i32 to vector<16xi32>
        %lt3A_588 = arith.cmpi slt, %sub3A_585, %lt3A_587 : vector<16xi32>
        %ge3A_589 = arith.constant 32 : i32
        %ge3A_590 = vector.broadcast %ge3A_589 : i32 to vector<16xi32>
        %ge3A_591 = arith.cmpi sge, %sub3A_585, %ge3A_590 : vector<16xi32>
        %or3A_592 = arith.ori %lt3A_588, %ge3A_591 : vector<16xi1>
        %mul3A_593 = arith.constant 2048 : i32
        %mul3A_594 = vector.broadcast %mul3A_593 : i32 to vector<16xi32>
        %mul3A_595 = arith.muli %sub3A_585, %mul3A_594 : vector<16xi32>
        %add3A_596 = arith.addi %mul3A_595, %get3A_583 : vector<16xi32>
        %jit3A_597 = arith.constant 65536 : i32
        %broadcast_in_dim3A_598 = vector.broadcast %jit3A_597 : i32 to vector<16xi32>
        %select_n3A_599 = arith.select %or3A_592, %broadcast_in_dim3A_598, %add3A_596 : vector<16xi1>, vector<16xi32>
        tpu.vector_store_idx %arg8[%select_n3A_599], %broadcast_in_dim3A_1 {add = true} : memref<81920xf32, #tpu.memory_space<vmem>>[vector<16xi32>], vector<16xf32>,
        %get3A_600 = arith.constant 448 : index
        %get3A_601 = tpu.vector_load %arg9[%get3A_600] {strides = array<i32>} : memref<512xi32, #tpu.memory_space<vmem>>, vector<16xi32>,
        %get3A_602 = arith.constant 448 : index
        %get3A_603 = tpu.vector_load %arg10[%get3A_602] {strides = array<i32>} : memref<512xi32, #tpu.memory_space<vmem>>, vector<16xi32>,
        %sub3A_604 = vector.broadcast %mul3A_12 : i32 to vector<16xi32>
        %sub3A_605 = arith.subi %get3A_601, %sub3A_604 : vector<16xi32>
        %lt3A_606 = arith.constant 0 : i32
        %lt3A_607 = vector.broadcast %lt3A_606 : i32 to vector<16xi32>
        %lt3A_608 = arith.cmpi slt, %sub3A_605, %lt3A_607 : vector<16xi32>
        %ge3A_609 = arith.constant 32 : i32
        %ge3A_610 = vector.broadcast %ge3A_609 : i32 to vector<16xi32>
        %ge3A_611 = arith.cmpi sge, %sub3A_605, %ge3A_610 : vector<16xi32>
        %or3A_612 = arith.ori %lt3A_608, %ge3A_611 : vector<16xi1>
        %mul3A_613 = arith.constant 2048 : i32
        %mul3A_614 = vector.broadcast %mul3A_613 : i32 to vector<16xi32>
        %mul3A_615 = arith.muli %sub3A_605, %mul3A_614 : vector<16xi32>
        %add3A_616 = arith.addi %mul3A_615, %get3A_603 : vector<16xi32>
        %jit3A_617 = arith.constant 65536 : i32
        %broadcast_in_dim3A_618 = vector.broadcast %jit3A_617 : i32 to vector<16xi32>
        %select_n3A_619 = arith.select %or3A_612, %broadcast_in_dim3A_618, %add3A_616 : vector<16xi1>, vector<16xi32>
        tpu.vector_store_idx %arg8[%select_n3A_619], %broadcast_in_dim3A_1 {add = true} : memref<81920xf32, #tpu.memory_space<vmem>>[vector<16xi32>], vector<16xf32>,
        %get3A_620 = arith.constant 464 : index
        %get3A_621 = tpu.vector_load %arg9[%get3A_620] {strides = array<i32>} : memref<512xi32, #tpu.memory_space<vmem>>, vector<16xi32>,
        %get3A_622 = arith.constant 464 : index
        %get3A_623 = tpu.vector_load %arg10[%get3A_622] {strides = array<i32>} : memref<512xi32, #tpu.memory_space<vmem>>, vector<16xi32>,
        %sub3A_624 = vector.broadcast %mul3A_12 : i32 to vector<16xi32>
        %sub3A_625 = arith.subi %get3A_621, %sub3A_624 : vector<16xi32>
        %lt3A_626 = arith.constant 0 : i32
        %lt3A_627 = vector.broadcast %lt3A_626 : i32 to vector<16xi32>
        %lt3A_628 = arith.cmpi slt, %sub3A_625, %lt3A_627 : vector<16xi32>
        %ge3A_629 = arith.constant 32 : i32
        %ge3A_630 = vector.broadcast %ge3A_629 : i32 to vector<16xi32>
        %ge3A_631 = arith.cmpi sge, %sub3A_625, %ge3A_630 : vector<16xi32>
        %or3A_632 = arith.ori %lt3A_628, %ge3A_631 : vector<16xi1>
        %mul3A_633 = arith.constant 2048 : i32
        %mul3A_634 = vector.broadcast %mul3A_633 : i32 to vector<16xi32>
        %mul3A_635 = arith.muli %sub3A_625, %mul3A_634 : vector<16xi32>
        %add3A_636 = arith.addi %mul3A_635, %get3A_623 : vector<16xi32>
        %jit3A_637 = arith.constant 65536 : i32
        %broadcast_in_dim3A_638 = vector.broadcast %jit3A_637 : i32 to vector<16xi32>
        %select_n3A_639 = arith.select %or3A_632, %broadcast_in_dim3A_638, %add3A_636 : vector<16xi1>, vector<16xi32>
        tpu.vector_store_idx %arg8[%select_n3A_639], %broadcast_in_dim3A_1 {add = true} : memref<81920xf32, #tpu.memory_space<vmem>>[vector<16xi32>], vector<16xf32>,
        %get3A_640 = arith.constant 480 : index
        %get3A_641 = tpu.vector_load %arg9[%get3A_640] {strides = array<i32>} : memref<512xi32, #tpu.memory_space<vmem>>, vector<16xi32>,
        %get3A_642 = arith.constant 480 : index
        %get3A_643 = tpu.vector_load %arg10[%get3A_642] {strides = array<i32>} : memref<512xi32, #tpu.memory_space<vmem>>, vector<16xi32>,
        %sub3A_644 = vector.broadcast %mul3A_12 : i32 to vector<16xi32>
        %sub3A_645 = arith.subi %get3A_641, %sub3A_644 : vector<16xi32>
        %lt3A_646 = arith.constant 0 : i32
        %lt3A_647 = vector.broadcast %lt3A_646 : i32 to vector<16xi32>
        %lt3A_648 = arith.cmpi slt, %sub3A_645, %lt3A_647 : vector<16xi32>
        %ge3A_649 = arith.constant 32 : i32
        %ge3A_650 = vector.broadcast %ge3A_649 : i32 to vector<16xi32>
        %ge3A_651 = arith.cmpi sge, %sub3A_645, %ge3A_650 : vector<16xi32>
        %or3A_652 = arith.ori %lt3A_648, %ge3A_651 : vector<16xi1>
        %mul3A_653 = arith.constant 2048 : i32
        %mul3A_654 = vector.broadcast %mul3A_653 : i32 to vector<16xi32>
        %mul3A_655 = arith.muli %sub3A_645, %mul3A_654 : vector<16xi32>
        %add3A_656 = arith.addi %mul3A_655, %get3A_643 : vector<16xi32>
        %jit3A_657 = arith.constant 65536 : i32
        %broadcast_in_dim3A_658 = vector.broadcast %jit3A_657 : i32 to vector<16xi32>
        %select_n3A_659 = arith.select %or3A_652, %broadcast_in_dim3A_658, %add3A_656 : vector<16xi1>, vector<16xi32>
        tpu.vector_store_idx %arg8[%select_n3A_659], %broadcast_in_dim3A_1 {add = true} : memref<81920xf32, #tpu.memory_space<vmem>>[vector<16xi32>], vector<16xf32>,
        %get3A_660 = arith.constant 496 : index
        %get3A_661 = tpu.vector_load %arg9[%get3A_660] {strides = array<i32>} : memref<512xi32, #tpu.memory_space<vmem>>, vector<16xi32>,
        %get3A_662 = arith.constant 496 : index
        %get3A_663 = tpu.vector_load %arg10[%get3A_662] {strides = array<i32>} : memref<512xi32, #tpu.memory_space<vmem>>, vector<16xi32>,
        %sub3A_664 = vector.broadcast %mul3A_12 : i32 to vector<16xi32>
        %sub3A_665 = arith.subi %get3A_661, %sub3A_664 : vector<16xi32>
        %lt3A_666 = arith.constant 0 : i32
        %lt3A_667 = vector.broadcast %lt3A_666 : i32 to vector<16xi32>
        %lt3A_668 = arith.cmpi slt, %sub3A_665, %lt3A_667 : vector<16xi32>
        %ge3A_669 = arith.constant 32 : i32
        %ge3A_670 = vector.broadcast %ge3A_669 : i32 to vector<16xi32>
        %ge3A_671 = arith.cmpi sge, %sub3A_665, %ge3A_670 : vector<16xi32>
        %or3A_672 = arith.ori %lt3A_668, %ge3A_671 : vector<16xi1>
        %mul3A_673 = arith.constant 2048 : i32
        %mul3A_674 = vector.broadcast %mul3A_673 : i32 to vector<16xi32>
        %mul3A_675 = arith.muli %sub3A_665, %mul3A_674 : vector<16xi32>
        %add3A_676 = arith.addi %mul3A_675, %get3A_663 : vector<16xi32>
        %jit3A_677 = arith.constant 65536 : i32
        %broadcast_in_dim3A_678 = vector.broadcast %jit3A_677 : i32 to vector<16xi32>
        %select_n3A_679 = arith.select %or3A_672, %broadcast_in_dim3A_678, %add3A_676 : vector<16xi1>, vector<16xi32>
        tpu.vector_store_idx %arg8[%select_n3A_679], %broadcast_in_dim3A_1 {add = true} : memref<81920xf32, #tpu.memory_space<vmem>>[vector<16xi32>], vector<16xf32>,
      }
      %while3A_39 = arith.constant 1 : i32
      scf.for %while3A_42 = %while3A_37 to %while3A_33 step %while3A_39  : i32 {
        %mul3A_43 = arith.constant 512 : i32
        %mul3A_44 = arith.muli %while3A_42, %mul3A_43 : i32
        %add3A_45 = arith.addi %reduce_max3A_20, %mul3A_44 : i32
        %multiple_of3A = tpu.assume_multiple %add3A_45, 8 : i32
        "tpu.region"() ({
          %run_scoped3A = tpu.sem_alloc : memref<!tpu.dma_semaphore, #tpu.memory_space<semaphore_mem>>
          %dma_start3A = tpu.memref_slice %arg2[%multiple_of3A] : memref<51200xi32, #tpu.memory_space<hbm>> -> memref<512xi32, #tpu.memory_space<hbm>>
          %dma_start3A_680 = tpu.memref_slice %arg2[%multiple_of3A] : memref<51200xi32, #tpu.memory_space<hbm>> -> memref<512xi32, #tpu.memory_space<hbm>>
          tpu.enqueue_dma source(%dma_start3A_680 : memref<512xi32, #tpu.memory_space<hbm>>) target(%arg9 : memref<512xi32, #tpu.memory_space<vmem>>) target_semaphore(%run_scoped3A : memref<!tpu.dma_semaphore, #tpu.memory_space<semaphore_mem>>)
          %dma_wait3A = tpu.memref_slice %arg2[%multiple_of3A] : memref<51200xi32, #tpu.memory_space<hbm>> -> memref<512xi32, #tpu.memory_space<hbm>>
          %dma_wait3A_681 = tpu.memref_slice %arg2[%multiple_of3A] : memref<51200xi32, #tpu.memory_space<hbm>> -> memref<512xi32, #tpu.memory_space<hbm>>
          tpu.wait_dma2 semaphore(%run_scoped3A : memref<!tpu.dma_semaphore, #tpu.memory_space<semaphore_mem>>) src(%dma_wait3A_681 : memref<512xi32, #tpu.memory_space<hbm>>) dst(%arg9 : memref<512xi32, #tpu.memory_space<vmem>>)
          tpu.yield
        }) : () -> ()
        "tpu.region"() ({
          %run_scoped3A = tpu.sem_alloc : memref<!tpu.dma_semaphore, #tpu.memory_space<semaphore_mem>>
          %dma_start3A = tpu.memref_slice %arg3[%multiple_of3A] : memref<51200xi32, #tpu.memory_space<hbm>> -> memref<512xi32, #tpu.memory_space<hbm>>
          %dma_start3A_680 = tpu.memref_slice %arg3[%multiple_of3A] : memref<51200xi32, #tpu.memory_space<hbm>> -> memref<512xi32, #tpu.memory_space<hbm>>
          tpu.enqueue_dma source(%dma_start3A_680 : memref<512xi32, #tpu.memory_space<hbm>>) target(%arg10 : memref<512xi32, #tpu.memory_space<vmem>>) target_semaphore(%run_scoped3A : memref<!tpu.dma_semaphore, #tpu.memory_space<semaphore_mem>>)
          %dma_wait3A = tpu.memref_slice %arg3[%multiple_of3A] : memref<51200xi32, #tpu.memory_space<hbm>> -> memref<512xi32, #tpu.memory_space<hbm>>
          %dma_wait3A_681 = tpu.memref_slice %arg3[%multiple_of3A] : memref<51200xi32, #tpu.memory_space<hbm>> -> memref<512xi32, #tpu.memory_space<hbm>>
          tpu.wait_dma2 semaphore(%run_scoped3A : memref<!tpu.dma_semaphore, #tpu.memory_space<semaphore_mem>>) src(%dma_wait3A_681 : memref<512xi32, #tpu.memory_space<hbm>>) dst(%arg10 : memref<512xi32, #tpu.memory_space<vmem>>)
          tpu.yield
        }) : () -> ()
        %get3A_46 = arith.constant 0 : index
        %get3A_47 = tpu.vector_load %arg9[%get3A_46] {strides = array<i32>} : memref<512xi32, #tpu.memory_space<vmem>>, vector<16xi32>,
        %get3A_48 = arith.constant 0 : index
        %get3A_49 = tpu.vector_load %arg10[%get3A_48] {strides = array<i32>} : memref<512xi32, #tpu.memory_space<vmem>>, vector<16xi32>,
        %sub3A = vector.broadcast %mul3A_12 : i32 to vector<16xi32>
        %sub3A_50 = arith.subi %get3A_47, %sub3A : vector<16xi32>
        %lt3A = arith.constant 0 : i32
        %lt3A_51 = vector.broadcast %lt3A : i32 to vector<16xi32>
        %lt3A_52 = arith.cmpi slt, %sub3A_50, %lt3A_51 : vector<16xi32>
        %ge3A = arith.constant 32 : i32
        %ge3A_53 = vector.broadcast %ge3A : i32 to vector<16xi32>
        %ge3A_54 = arith.cmpi sge, %sub3A_50, %ge3A_53 : vector<16xi32>
        %or3A = arith.ori %lt3A_52, %ge3A_54 : vector<16xi1>
        %mul3A_55 = arith.constant 2048 : i32
        %mul3A_56 = vector.broadcast %mul3A_55 : i32 to vector<16xi32>
        %mul3A_57 = arith.muli %sub3A_50, %mul3A_56 : vector<16xi32>
        %add3A_58 = arith.addi %mul3A_57, %get3A_49 : vector<16xi32>
        %jit3A = arith.constant 65536 : i32
        %broadcast_in_dim3A_59 = vector.broadcast %jit3A : i32 to vector<16xi32>
        %select_n3A = arith.select %or3A, %broadcast_in_dim3A_59, %add3A_58 : vector<16xi1>, vector<16xi32>
        tpu.vector_store_idx %arg8[%select_n3A], %broadcast_in_dim3A_1 {add = true} : memref<81920xf32, #tpu.memory_space<vmem>>[vector<16xi32>], vector<16xf32>,
        %get3A_60 = arith.constant 16 : index
        %get3A_61 = tpu.vector_load %arg9[%get3A_60] {strides = array<i32>} : memref<512xi32, #tpu.memory_space<vmem>>, vector<16xi32>,
        %get3A_62 = arith.constant 16 : index
        %get3A_63 = tpu.vector_load %arg10[%get3A_62] {strides = array<i32>} : memref<512xi32, #tpu.memory_space<vmem>>, vector<16xi32>,
        %sub3A_64 = vector.broadcast %mul3A_12 : i32 to vector<16xi32>
        %sub3A_65 = arith.subi %get3A_61, %sub3A_64 : vector<16xi32>
        %lt3A_66 = arith.constant 0 : i32
        %lt3A_67 = vector.broadcast %lt3A_66 : i32 to vector<16xi32>
        %lt3A_68 = arith.cmpi slt, %sub3A_65, %lt3A_67 : vector<16xi32>
        %ge3A_69 = arith.constant 32 : i32
        %ge3A_70 = vector.broadcast %ge3A_69 : i32 to vector<16xi32>
        %ge3A_71 = arith.cmpi sge, %sub3A_65, %ge3A_70 : vector<16xi32>
        %or3A_72 = arith.ori %lt3A_68, %ge3A_71 : vector<16xi1>
        %mul3A_73 = arith.constant 2048 : i32
        %mul3A_74 = vector.broadcast %mul3A_73 : i32 to vector<16xi32>
        %mul3A_75 = arith.muli %sub3A_65, %mul3A_74 : vector<16xi32>
        %add3A_76 = arith.addi %mul3A_75, %get3A_63 : vector<16xi32>
        %jit3A_77 = arith.constant 65536 : i32
        %broadcast_in_dim3A_78 = vector.broadcast %jit3A_77 : i32 to vector<16xi32>
        %select_n3A_79 = arith.select %or3A_72, %broadcast_in_dim3A_78, %add3A_76 : vector<16xi1>, vector<16xi32>
        tpu.vector_store_idx %arg8[%select_n3A_79], %broadcast_in_dim3A_1 {add = true} : memref<81920xf32, #tpu.memory_space<vmem>>[vector<16xi32>], vector<16xf32>,
        %get3A_80 = arith.constant 32 : index
        %get3A_81 = tpu.vector_load %arg9[%get3A_80] {strides = array<i32>} : memref<512xi32, #tpu.memory_space<vmem>>, vector<16xi32>,
        %get3A_82 = arith.constant 32 : index
        %get3A_83 = tpu.vector_load %arg10[%get3A_82] {strides = array<i32>} : memref<512xi32, #tpu.memory_space<vmem>>, vector<16xi32>,
        %sub3A_84 = vector.broadcast %mul3A_12 : i32 to vector<16xi32>
        %sub3A_85 = arith.subi %get3A_81, %sub3A_84 : vector<16xi32>
        %lt3A_86 = arith.constant 0 : i32
        %lt3A_87 = vector.broadcast %lt3A_86 : i32 to vector<16xi32>
        %lt3A_88 = arith.cmpi slt, %sub3A_85, %lt3A_87 : vector<16xi32>
        %ge3A_89 = arith.constant 32 : i32
        %ge3A_90 = vector.broadcast %ge3A_89 : i32 to vector<16xi32>
        %ge3A_91 = arith.cmpi sge, %sub3A_85, %ge3A_90 : vector<16xi32>
        %or3A_92 = arith.ori %lt3A_88, %ge3A_91 : vector<16xi1>
        %mul3A_93 = arith.constant 2048 : i32
        %mul3A_94 = vector.broadcast %mul3A_93 : i32 to vector<16xi32>
        %mul3A_95 = arith.muli %sub3A_85, %mul3A_94 : vector<16xi32>
        %add3A_96 = arith.addi %mul3A_95, %get3A_83 : vector<16xi32>
        %jit3A_97 = arith.constant 65536 : i32
        %broadcast_in_dim3A_98 = vector.broadcast %jit3A_97 : i32 to vector<16xi32>
        %select_n3A_99 = arith.select %or3A_92, %broadcast_in_dim3A_98, %add3A_96 : vector<16xi1>, vector<16xi32>
        tpu.vector_store_idx %arg8[%select_n3A_99], %broadcast_in_dim3A_1 {add = true} : memref<81920xf32, #tpu.memory_space<vmem>>[vector<16xi32>], vector<16xf32>,
        %get3A_100 = arith.constant 48 : index
        %get3A_101 = tpu.vector_load %arg9[%get3A_100] {strides = array<i32>} : memref<512xi32, #tpu.memory_space<vmem>>, vector<16xi32>,
        %get3A_102 = arith.constant 48 : index
        %get3A_103 = tpu.vector_load %arg10[%get3A_102] {strides = array<i32>} : memref<512xi32, #tpu.memory_space<vmem>>, vector<16xi32>,
        %sub3A_104 = vector.broadcast %mul3A_12 : i32 to vector<16xi32>
        %sub3A_105 = arith.subi %get3A_101, %sub3A_104 : vector<16xi32>
        %lt3A_106 = arith.constant 0 : i32
        %lt3A_107 = vector.broadcast %lt3A_106 : i32 to vector<16xi32>
        %lt3A_108 = arith.cmpi slt, %sub3A_105, %lt3A_107 : vector<16xi32>
        %ge3A_109 = arith.constant 32 : i32
        %ge3A_110 = vector.broadcast %ge3A_109 : i32 to vector<16xi32>
        %ge3A_111 = arith.cmpi sge, %sub3A_105, %ge3A_110 : vector<16xi32>
        %or3A_112 = arith.ori %lt3A_108, %ge3A_111 : vector<16xi1>
        %mul3A_113 = arith.constant 2048 : i32
        %mul3A_114 = vector.broadcast %mul3A_113 : i32 to vector<16xi32>
        %mul3A_115 = arith.muli %sub3A_105, %mul3A_114 : vector<16xi32>
        %add3A_116 = arith.addi %mul3A_115, %get3A_103 : vector<16xi32>
        %jit3A_117 = arith.constant 65536 : i32
        %broadcast_in_dim3A_118 = vector.broadcast %jit3A_117 : i32 to vector<16xi32>
        %select_n3A_119 = arith.select %or3A_112, %broadcast_in_dim3A_118, %add3A_116 : vector<16xi1>, vector<16xi32>
        tpu.vector_store_idx %arg8[%select_n3A_119], %broadcast_in_dim3A_1 {add = true} : memref<81920xf32, #tpu.memory_space<vmem>>[vector<16xi32>], vector<16xf32>,
        %get3A_120 = arith.constant 64 : index
        %get3A_121 = tpu.vector_load %arg9[%get3A_120] {strides = array<i32>} : memref<512xi32, #tpu.memory_space<vmem>>, vector<16xi32>,
        %get3A_122 = arith.constant 64 : index
        %get3A_123 = tpu.vector_load %arg10[%get3A_122] {strides = array<i32>} : memref<512xi32, #tpu.memory_space<vmem>>, vector<16xi32>,
        %sub3A_124 = vector.broadcast %mul3A_12 : i32 to vector<16xi32>
        %sub3A_125 = arith.subi %get3A_121, %sub3A_124 : vector<16xi32>
        %lt3A_126 = arith.constant 0 : i32
        %lt3A_127 = vector.broadcast %lt3A_126 : i32 to vector<16xi32>
        %lt3A_128 = arith.cmpi slt, %sub3A_125, %lt3A_127 : vector<16xi32>
        %ge3A_129 = arith.constant 32 : i32
        %ge3A_130 = vector.broadcast %ge3A_129 : i32 to vector<16xi32>
        %ge3A_131 = arith.cmpi sge, %sub3A_125, %ge3A_130 : vector<16xi32>
        %or3A_132 = arith.ori %lt3A_128, %ge3A_131 : vector<16xi1>
        %mul3A_133 = arith.constant 2048 : i32
        %mul3A_134 = vector.broadcast %mul3A_133 : i32 to vector<16xi32>
        %mul3A_135 = arith.muli %sub3A_125, %mul3A_134 : vector<16xi32>
        %add3A_136 = arith.addi %mul3A_135, %get3A_123 : vector<16xi32>
        %jit3A_137 = arith.constant 65536 : i32
        %broadcast_in_dim3A_138 = vector.broadcast %jit3A_137 : i32 to vector<16xi32>
        %select_n3A_139 = arith.select %or3A_132, %broadcast_in_dim3A_138, %add3A_136 : vector<16xi1>, vector<16xi32>
        tpu.vector_store_idx %arg8[%select_n3A_139], %broadcast_in_dim3A_1 {add = true} : memref<81920xf32, #tpu.memory_space<vmem>>[vector<16xi32>], vector<16xf32>,
        %get3A_140 = arith.constant 80 : index
        %get3A_141 = tpu.vector_load %arg9[%get3A_140] {strides = array<i32>} : memref<512xi32, #tpu.memory_space<vmem>>, vector<16xi32>,
        %get3A_142 = arith.constant 80 : index
        %get3A_143 = tpu.vector_load %arg10[%get3A_142] {strides = array<i32>} : memref<512xi32, #tpu.memory_space<vmem>>, vector<16xi32>,
        %sub3A_144 = vector.broadcast %mul3A_12 : i32 to vector<16xi32>
        %sub3A_145 = arith.subi %get3A_141, %sub3A_144 : vector<16xi32>
        %lt3A_146 = arith.constant 0 : i32
        %lt3A_147 = vector.broadcast %lt3A_146 : i32 to vector<16xi32>
        %lt3A_148 = arith.cmpi slt, %sub3A_145, %lt3A_147 : vector<16xi32>
        %ge3A_149 = arith.constant 32 : i32
        %ge3A_150 = vector.broadcast %ge3A_149 : i32 to vector<16xi32>
        %ge3A_151 = arith.cmpi sge, %sub3A_145, %ge3A_150 : vector<16xi32>
        %or3A_152 = arith.ori %lt3A_148, %ge3A_151 : vector<16xi1>
        %mul3A_153 = arith.constant 2048 : i32
        %mul3A_154 = vector.broadcast %mul3A_153 : i32 to vector<16xi32>
        %mul3A_155 = arith.muli %sub3A_145, %mul3A_154 : vector<16xi32>
        %add3A_156 = arith.addi %mul3A_155, %get3A_143 : vector<16xi32>
        %jit3A_157 = arith.constant 65536 : i32
        %broadcast_in_dim3A_158 = vector.broadcast %jit3A_157 : i32 to vector<16xi32>
        %select_n3A_159 = arith.select %or3A_152, %broadcast_in_dim3A_158, %add3A_156 : vector<16xi1>, vector<16xi32>
        tpu.vector_store_idx %arg8[%select_n3A_159], %broadcast_in_dim3A_1 {add = true} : memref<81920xf32, #tpu.memory_space<vmem>>[vector<16xi32>], vector<16xf32>,
        %get3A_160 = arith.constant 96 : index
        %get3A_161 = tpu.vector_load %arg9[%get3A_160] {strides = array<i32>} : memref<512xi32, #tpu.memory_space<vmem>>, vector<16xi32>,
        %get3A_162 = arith.constant 96 : index
        %get3A_163 = tpu.vector_load %arg10[%get3A_162] {strides = array<i32>} : memref<512xi32, #tpu.memory_space<vmem>>, vector<16xi32>,
        %sub3A_164 = vector.broadcast %mul3A_12 : i32 to vector<16xi32>
        %sub3A_165 = arith.subi %get3A_161, %sub3A_164 : vector<16xi32>
        %lt3A_166 = arith.constant 0 : i32
        %lt3A_167 = vector.broadcast %lt3A_166 : i32 to vector<16xi32>
        %lt3A_168 = arith.cmpi slt, %sub3A_165, %lt3A_167 : vector<16xi32>
        %ge3A_169 = arith.constant 32 : i32
        %ge3A_170 = vector.broadcast %ge3A_169 : i32 to vector<16xi32>
        %ge3A_171 = arith.cmpi sge, %sub3A_165, %ge3A_170 : vector<16xi32>
        %or3A_172 = arith.ori %lt3A_168, %ge3A_171 : vector<16xi1>
        %mul3A_173 = arith.constant 2048 : i32
        %mul3A_174 = vector.broadcast %mul3A_173 : i32 to vector<16xi32>
        %mul3A_175 = arith.muli %sub3A_165, %mul3A_174 : vector<16xi32>
        %add3A_176 = arith.addi %mul3A_175, %get3A_163 : vector<16xi32>
        %jit3A_177 = arith.constant 65536 : i32
        %broadcast_in_dim3A_178 = vector.broadcast %jit3A_177 : i32 to vector<16xi32>
        %select_n3A_179 = arith.select %or3A_172, %broadcast_in_dim3A_178, %add3A_176 : vector<16xi1>, vector<16xi32>
        tpu.vector_store_idx %arg8[%select_n3A_179], %broadcast_in_dim3A_1 {add = true} : memref<81920xf32, #tpu.memory_space<vmem>>[vector<16xi32>], vector<16xf32>,
        %get3A_180 = arith.constant 112 : index
        %get3A_181 = tpu.vector_load %arg9[%get3A_180] {strides = array<i32>} : memref<512xi32, #tpu.memory_space<vmem>>, vector<16xi32>,
        %get3A_182 = arith.constant 112 : index
        %get3A_183 = tpu.vector_load %arg10[%get3A_182] {strides = array<i32>} : memref<512xi32, #tpu.memory_space<vmem>>, vector<16xi32>,
        %sub3A_184 = vector.broadcast %mul3A_12 : i32 to vector<16xi32>
        %sub3A_185 = arith.subi %get3A_181, %sub3A_184 : vector<16xi32>
        %lt3A_186 = arith.constant 0 : i32
        %lt3A_187 = vector.broadcast %lt3A_186 : i32 to vector<16xi32>
        %lt3A_188 = arith.cmpi slt, %sub3A_185, %lt3A_187 : vector<16xi32>
        %ge3A_189 = arith.constant 32 : i32
        %ge3A_190 = vector.broadcast %ge3A_189 : i32 to vector<16xi32>
        %ge3A_191 = arith.cmpi sge, %sub3A_185, %ge3A_190 : vector<16xi32>
        %or3A_192 = arith.ori %lt3A_188, %ge3A_191 : vector<16xi1>
        %mul3A_193 = arith.constant 2048 : i32
        %mul3A_194 = vector.broadcast %mul3A_193 : i32 to vector<16xi32>
        %mul3A_195 = arith.muli %sub3A_185, %mul3A_194 : vector<16xi32>
        %add3A_196 = arith.addi %mul3A_195, %get3A_183 : vector<16xi32>
        %jit3A_197 = arith.constant 65536 : i32
        %broadcast_in_dim3A_198 = vector.broadcast %jit3A_197 : i32 to vector<16xi32>
        %select_n3A_199 = arith.select %or3A_192, %broadcast_in_dim3A_198, %add3A_196 : vector<16xi1>, vector<16xi32>
        tpu.vector_store_idx %arg8[%select_n3A_199], %broadcast_in_dim3A_1 {add = true} : memref<81920xf32, #tpu.memory_space<vmem>>[vector<16xi32>], vector<16xf32>,
        %get3A_200 = arith.constant 128 : index
        %get3A_201 = tpu.vector_load %arg9[%get3A_200] {strides = array<i32>} : memref<512xi32, #tpu.memory_space<vmem>>, vector<16xi32>,
        %get3A_202 = arith.constant 128 : index
        %get3A_203 = tpu.vector_load %arg10[%get3A_202] {strides = array<i32>} : memref<512xi32, #tpu.memory_space<vmem>>, vector<16xi32>,
        %sub3A_204 = vector.broadcast %mul3A_12 : i32 to vector<16xi32>
        %sub3A_205 = arith.subi %get3A_201, %sub3A_204 : vector<16xi32>
        %lt3A_206 = arith.constant 0 : i32
        %lt3A_207 = vector.broadcast %lt3A_206 : i32 to vector<16xi32>
        %lt3A_208 = arith.cmpi slt, %sub3A_205, %lt3A_207 : vector<16xi32>
        %ge3A_209 = arith.constant 32 : i32
        %ge3A_210 = vector.broadcast %ge3A_209 : i32 to vector<16xi32>
        %ge3A_211 = arith.cmpi sge, %sub3A_205, %ge3A_210 : vector<16xi32>
        %or3A_212 = arith.ori %lt3A_208, %ge3A_211 : vector<16xi1>
        %mul3A_213 = arith.constant 2048 : i32
        %mul3A_214 = vector.broadcast %mul3A_213 : i32 to vector<16xi32>
        %mul3A_215 = arith.muli %sub3A_205, %mul3A_214 : vector<16xi32>
        %add3A_216 = arith.addi %mul3A_215, %get3A_203 : vector<16xi32>
        %jit3A_217 = arith.constant 65536 : i32
        %broadcast_in_dim3A_218 = vector.broadcast %jit3A_217 : i32 to vector<16xi32>
        %select_n3A_219 = arith.select %or3A_212, %broadcast_in_dim3A_218, %add3A_216 : vector<16xi1>, vector<16xi32>
        tpu.vector_store_idx %arg8[%select_n3A_219], %broadcast_in_dim3A_1 {add = true} : memref<81920xf32, #tpu.memory_space<vmem>>[vector<16xi32>], vector<16xf32>,
        %get3A_220 = arith.constant 144 : index
        %get3A_221 = tpu.vector_load %arg9[%get3A_220] {strides = array<i32>} : memref<512xi32, #tpu.memory_space<vmem>>, vector<16xi32>,
        %get3A_222 = arith.constant 144 : index
        %get3A_223 = tpu.vector_load %arg10[%get3A_222] {strides = array<i32>} : memref<512xi32, #tpu.memory_space<vmem>>, vector<16xi32>,
        %sub3A_224 = vector.broadcast %mul3A_12 : i32 to vector<16xi32>
        %sub3A_225 = arith.subi %get3A_221, %sub3A_224 : vector<16xi32>
        %lt3A_226 = arith.constant 0 : i32
        %lt3A_227 = vector.broadcast %lt3A_226 : i32 to vector<16xi32>
        %lt3A_228 = arith.cmpi slt, %sub3A_225, %lt3A_227 : vector<16xi32>
        %ge3A_229 = arith.constant 32 : i32
        %ge3A_230 = vector.broadcast %ge3A_229 : i32 to vector<16xi32>
        %ge3A_231 = arith.cmpi sge, %sub3A_225, %ge3A_230 : vector<16xi32>
        %or3A_232 = arith.ori %lt3A_228, %ge3A_231 : vector<16xi1>
        %mul3A_233 = arith.constant 2048 : i32
        %mul3A_234 = vector.broadcast %mul3A_233 : i32 to vector<16xi32>
        %mul3A_235 = arith.muli %sub3A_225, %mul3A_234 : vector<16xi32>
        %add3A_236 = arith.addi %mul3A_235, %get3A_223 : vector<16xi32>
        %jit3A_237 = arith.constant 65536 : i32
        %broadcast_in_dim3A_238 = vector.broadcast %jit3A_237 : i32 to vector<16xi32>
        %select_n3A_239 = arith.select %or3A_232, %broadcast_in_dim3A_238, %add3A_236 : vector<16xi1>, vector<16xi32>
        tpu.vector_store_idx %arg8[%select_n3A_239], %broadcast_in_dim3A_1 {add = true} : memref<81920xf32, #tpu.memory_space<vmem>>[vector<16xi32>], vector<16xf32>,
        %get3A_240 = arith.constant 160 : index
        %get3A_241 = tpu.vector_load %arg9[%get3A_240] {strides = array<i32>} : memref<512xi32, #tpu.memory_space<vmem>>, vector<16xi32>,
        %get3A_242 = arith.constant 160 : index
        %get3A_243 = tpu.vector_load %arg10[%get3A_242] {strides = array<i32>} : memref<512xi32, #tpu.memory_space<vmem>>, vector<16xi32>,
        %sub3A_244 = vector.broadcast %mul3A_12 : i32 to vector<16xi32>
        %sub3A_245 = arith.subi %get3A_241, %sub3A_244 : vector<16xi32>
        %lt3A_246 = arith.constant 0 : i32
        %lt3A_247 = vector.broadcast %lt3A_246 : i32 to vector<16xi32>
        %lt3A_248 = arith.cmpi slt, %sub3A_245, %lt3A_247 : vector<16xi32>
        %ge3A_249 = arith.constant 32 : i32
        %ge3A_250 = vector.broadcast %ge3A_249 : i32 to vector<16xi32>
        %ge3A_251 = arith.cmpi sge, %sub3A_245, %ge3A_250 : vector<16xi32>
        %or3A_252 = arith.ori %lt3A_248, %ge3A_251 : vector<16xi1>
        %mul3A_253 = arith.constant 2048 : i32
        %mul3A_254 = vector.broadcast %mul3A_253 : i32 to vector<16xi32>
        %mul3A_255 = arith.muli %sub3A_245, %mul3A_254 : vector<16xi32>
        %add3A_256 = arith.addi %mul3A_255, %get3A_243 : vector<16xi32>
        %jit3A_257 = arith.constant 65536 : i32
        %broadcast_in_dim3A_258 = vector.broadcast %jit3A_257 : i32 to vector<16xi32>
        %select_n3A_259 = arith.select %or3A_252, %broadcast_in_dim3A_258, %add3A_256 : vector<16xi1>, vector<16xi32>
        tpu.vector_store_idx %arg8[%select_n3A_259], %broadcast_in_dim3A_1 {add = true} : memref<81920xf32, #tpu.memory_space<vmem>>[vector<16xi32>], vector<16xf32>,
        %get3A_260 = arith.constant 176 : index
        %get3A_261 = tpu.vector_load %arg9[%get3A_260] {strides = array<i32>} : memref<512xi32, #tpu.memory_space<vmem>>, vector<16xi32>,
        %get3A_262 = arith.constant 176 : index
        %get3A_263 = tpu.vector_load %arg10[%get3A_262] {strides = array<i32>} : memref<512xi32, #tpu.memory_space<vmem>>, vector<16xi32>,
        %sub3A_264 = vector.broadcast %mul3A_12 : i32 to vector<16xi32>
        %sub3A_265 = arith.subi %get3A_261, %sub3A_264 : vector<16xi32>
        %lt3A_266 = arith.constant 0 : i32
        %lt3A_267 = vector.broadcast %lt3A_266 : i32 to vector<16xi32>
        %lt3A_268 = arith.cmpi slt, %sub3A_265, %lt3A_267 : vector<16xi32>
        %ge3A_269 = arith.constant 32 : i32
        %ge3A_270 = vector.broadcast %ge3A_269 : i32 to vector<16xi32>
        %ge3A_271 = arith.cmpi sge, %sub3A_265, %ge3A_270 : vector<16xi32>
        %or3A_272 = arith.ori %lt3A_268, %ge3A_271 : vector<16xi1>
        %mul3A_273 = arith.constant 2048 : i32
        %mul3A_274 = vector.broadcast %mul3A_273 : i32 to vector<16xi32>
        %mul3A_275 = arith.muli %sub3A_265, %mul3A_274 : vector<16xi32>
        %add3A_276 = arith.addi %mul3A_275, %get3A_263 : vector<16xi32>
        %jit3A_277 = arith.constant 65536 : i32
        %broadcast_in_dim3A_278 = vector.broadcast %jit3A_277 : i32 to vector<16xi32>
        %select_n3A_279 = arith.select %or3A_272, %broadcast_in_dim3A_278, %add3A_276 : vector<16xi1>, vector<16xi32>
        tpu.vector_store_idx %arg8[%select_n3A_279], %broadcast_in_dim3A_1 {add = true} : memref<81920xf32, #tpu.memory_space<vmem>>[vector<16xi32>], vector<16xf32>,
        %get3A_280 = arith.constant 192 : index
        %get3A_281 = tpu.vector_load %arg9[%get3A_280] {strides = array<i32>} : memref<512xi32, #tpu.memory_space<vmem>>, vector<16xi32>,
        %get3A_282 = arith.constant 192 : index
        %get3A_283 = tpu.vector_load %arg10[%get3A_282] {strides = array<i32>} : memref<512xi32, #tpu.memory_space<vmem>>, vector<16xi32>,
        %sub3A_284 = vector.broadcast %mul3A_12 : i32 to vector<16xi32>
        %sub3A_285 = arith.subi %get3A_281, %sub3A_284 : vector<16xi32>
        %lt3A_286 = arith.constant 0 : i32
        %lt3A_287 = vector.broadcast %lt3A_286 : i32 to vector<16xi32>
        %lt3A_288 = arith.cmpi slt, %sub3A_285, %lt3A_287 : vector<16xi32>
        %ge3A_289 = arith.constant 32 : i32
        %ge3A_290 = vector.broadcast %ge3A_289 : i32 to vector<16xi32>
        %ge3A_291 = arith.cmpi sge, %sub3A_285, %ge3A_290 : vector<16xi32>
        %or3A_292 = arith.ori %lt3A_288, %ge3A_291 : vector<16xi1>
        %mul3A_293 = arith.constant 2048 : i32
        %mul3A_294 = vector.broadcast %mul3A_293 : i32 to vector<16xi32>
        %mul3A_295 = arith.muli %sub3A_285, %mul3A_294 : vector<16xi32>
        %add3A_296 = arith.addi %mul3A_295, %get3A_283 : vector<16xi32>
        %jit3A_297 = arith.constant 65536 : i32
        %broadcast_in_dim3A_298 = vector.broadcast %jit3A_297 : i32 to vector<16xi32>
        %select_n3A_299 = arith.select %or3A_292, %broadcast_in_dim3A_298, %add3A_296 : vector<16xi1>, vector<16xi32>
        tpu.vector_store_idx %arg8[%select_n3A_299], %broadcast_in_dim3A_1 {add = true} : memref<81920xf32, #tpu.memory_space<vmem>>[vector<16xi32>], vector<16xf32>,
        %get3A_300 = arith.constant 208 : index
        %get3A_301 = tpu.vector_load %arg9[%get3A_300] {strides = array<i32>} : memref<512xi32, #tpu.memory_space<vmem>>, vector<16xi32>,
        %get3A_302 = arith.constant 208 : index
        %get3A_303 = tpu.vector_load %arg10[%get3A_302] {strides = array<i32>} : memref<512xi32, #tpu.memory_space<vmem>>, vector<16xi32>,
        %sub3A_304 = vector.broadcast %mul3A_12 : i32 to vector<16xi32>
        %sub3A_305 = arith.subi %get3A_301, %sub3A_304 : vector<16xi32>
        %lt3A_306 = arith.constant 0 : i32
        %lt3A_307 = vector.broadcast %lt3A_306 : i32 to vector<16xi32>
        %lt3A_308 = arith.cmpi slt, %sub3A_305, %lt3A_307 : vector<16xi32>
        %ge3A_309 = arith.constant 32 : i32
        %ge3A_310 = vector.broadcast %ge3A_309 : i32 to vector<16xi32>
        %ge3A_311 = arith.cmpi sge, %sub3A_305, %ge3A_310 : vector<16xi32>
        %or3A_312 = arith.ori %lt3A_308, %ge3A_311 : vector<16xi1>
        %mul3A_313 = arith.constant 2048 : i32
        %mul3A_314 = vector.broadcast %mul3A_313 : i32 to vector<16xi32>
        %mul3A_315 = arith.muli %sub3A_305, %mul3A_314 : vector<16xi32>
        %add3A_316 = arith.addi %mul3A_315, %get3A_303 : vector<16xi32>
        %jit3A_317 = arith.constant 65536 : i32
        %broadcast_in_dim3A_318 = vector.broadcast %jit3A_317 : i32 to vector<16xi32>
        %select_n3A_319 = arith.select %or3A_312, %broadcast_in_dim3A_318, %add3A_316 : vector<16xi1>, vector<16xi32>
        tpu.vector_store_idx %arg8[%select_n3A_319], %broadcast_in_dim3A_1 {add = true} : memref<81920xf32, #tpu.memory_space<vmem>>[vector<16xi32>], vector<16xf32>,
        %get3A_320 = arith.constant 224 : index
        %get3A_321 = tpu.vector_load %arg9[%get3A_320] {strides = array<i32>} : memref<512xi32, #tpu.memory_space<vmem>>, vector<16xi32>,
        %get3A_322 = arith.constant 224 : index
        %get3A_323 = tpu.vector_load %arg10[%get3A_322] {strides = array<i32>} : memref<512xi32, #tpu.memory_space<vmem>>, vector<16xi32>,
        %sub3A_324 = vector.broadcast %mul3A_12 : i32 to vector<16xi32>
        %sub3A_325 = arith.subi %get3A_321, %sub3A_324 : vector<16xi32>
        %lt3A_326 = arith.constant 0 : i32
        %lt3A_327 = vector.broadcast %lt3A_326 : i32 to vector<16xi32>
        %lt3A_328 = arith.cmpi slt, %sub3A_325, %lt3A_327 : vector<16xi32>
        %ge3A_329 = arith.constant 32 : i32
        %ge3A_330 = vector.broadcast %ge3A_329 : i32 to vector<16xi32>
        %ge3A_331 = arith.cmpi sge, %sub3A_325, %ge3A_330 : vector<16xi32>
        %or3A_332 = arith.ori %lt3A_328, %ge3A_331 : vector<16xi1>
        %mul3A_333 = arith.constant 2048 : i32
        %mul3A_334 = vector.broadcast %mul3A_333 : i32 to vector<16xi32>
        %mul3A_335 = arith.muli %sub3A_325, %mul3A_334 : vector<16xi32>
        %add3A_336 = arith.addi %mul3A_335, %get3A_323 : vector<16xi32>
        %jit3A_337 = arith.constant 65536 : i32
        %broadcast_in_dim3A_338 = vector.broadcast %jit3A_337 : i32 to vector<16xi32>
        %select_n3A_339 = arith.select %or3A_332, %broadcast_in_dim3A_338, %add3A_336 : vector<16xi1>, vector<16xi32>
        tpu.vector_store_idx %arg8[%select_n3A_339], %broadcast_in_dim3A_1 {add = true} : memref<81920xf32, #tpu.memory_space<vmem>>[vector<16xi32>], vector<16xf32>,
        %get3A_340 = arith.constant 240 : index
        %get3A_341 = tpu.vector_load %arg9[%get3A_340] {strides = array<i32>} : memref<512xi32, #tpu.memory_space<vmem>>, vector<16xi32>,
        %get3A_342 = arith.constant 240 : index
        %get3A_343 = tpu.vector_load %arg10[%get3A_342] {strides = array<i32>} : memref<512xi32, #tpu.memory_space<vmem>>, vector<16xi32>,
        %sub3A_344 = vector.broadcast %mul3A_12 : i32 to vector<16xi32>
        %sub3A_345 = arith.subi %get3A_341, %sub3A_344 : vector<16xi32>
        %lt3A_346 = arith.constant 0 : i32
        %lt3A_347 = vector.broadcast %lt3A_346 : i32 to vector<16xi32>
        %lt3A_348 = arith.cmpi slt, %sub3A_345, %lt3A_347 : vector<16xi32>
        %ge3A_349 = arith.constant 32 : i32
        %ge3A_350 = vector.broadcast %ge3A_349 : i32 to vector<16xi32>
        %ge3A_351 = arith.cmpi sge, %sub3A_345, %ge3A_350 : vector<16xi32>
        %or3A_352 = arith.ori %lt3A_348, %ge3A_351 : vector<16xi1>
        %mul3A_353 = arith.constant 2048 : i32
        %mul3A_354 = vector.broadcast %mul3A_353 : i32 to vector<16xi32>
        %mul3A_355 = arith.muli %sub3A_345, %mul3A_354 : vector<16xi32>
        %add3A_356 = arith.addi %mul3A_355, %get3A_343 : vector<16xi32>
        %jit3A_357 = arith.constant 65536 : i32
        %broadcast_in_dim3A_358 = vector.broadcast %jit3A_357 : i32 to vector<16xi32>
        %select_n3A_359 = arith.select %or3A_352, %broadcast_in_dim3A_358, %add3A_356 : vector<16xi1>, vector<16xi32>
        tpu.vector_store_idx %arg8[%select_n3A_359], %broadcast_in_dim3A_1 {add = true} : memref<81920xf32, #tpu.memory_space<vmem>>[vector<16xi32>], vector<16xf32>,
        %get3A_360 = arith.constant 256 : index
        %get3A_361 = tpu.vector_load %arg9[%get3A_360] {strides = array<i32>} : memref<512xi32, #tpu.memory_space<vmem>>, vector<16xi32>,
        %get3A_362 = arith.constant 256 : index
        %get3A_363 = tpu.vector_load %arg10[%get3A_362] {strides = array<i32>} : memref<512xi32, #tpu.memory_space<vmem>>, vector<16xi32>,
        %sub3A_364 = vector.broadcast %mul3A_12 : i32 to vector<16xi32>
        %sub3A_365 = arith.subi %get3A_361, %sub3A_364 : vector<16xi32>
        %lt3A_366 = arith.constant 0 : i32
        %lt3A_367 = vector.broadcast %lt3A_366 : i32 to vector<16xi32>
        %lt3A_368 = arith.cmpi slt, %sub3A_365, %lt3A_367 : vector<16xi32>
        %ge3A_369 = arith.constant 32 : i32
        %ge3A_370 = vector.broadcast %ge3A_369 : i32 to vector<16xi32>
        %ge3A_371 = arith.cmpi sge, %sub3A_365, %ge3A_370 : vector<16xi32>
        %or3A_372 = arith.ori %lt3A_368, %ge3A_371 : vector<16xi1>
        %mul3A_373 = arith.constant 2048 : i32
        %mul3A_374 = vector.broadcast %mul3A_373 : i32 to vector<16xi32>
        %mul3A_375 = arith.muli %sub3A_365, %mul3A_374 : vector<16xi32>
        %add3A_376 = arith.addi %mul3A_375, %get3A_363 : vector<16xi32>
        %jit3A_377 = arith.constant 65536 : i32
        %broadcast_in_dim3A_378 = vector.broadcast %jit3A_377 : i32 to vector<16xi32>
        %select_n3A_379 = arith.select %or3A_372, %broadcast_in_dim3A_378, %add3A_376 : vector<16xi1>, vector<16xi32>
        tpu.vector_store_idx %arg8[%select_n3A_379], %broadcast_in_dim3A_1 {add = true} : memref<81920xf32, #tpu.memory_space<vmem>>[vector<16xi32>], vector<16xf32>,
        %get3A_380 = arith.constant 272 : index
        %get3A_381 = tpu.vector_load %arg9[%get3A_380] {strides = array<i32>} : memref<512xi32, #tpu.memory_space<vmem>>, vector<16xi32>,
        %get3A_382 = arith.constant 272 : index
        %get3A_383 = tpu.vector_load %arg10[%get3A_382] {strides = array<i32>} : memref<512xi32, #tpu.memory_space<vmem>>, vector<16xi32>,
        %sub3A_384 = vector.broadcast %mul3A_12 : i32 to vector<16xi32>
        %sub3A_385 = arith.subi %get3A_381, %sub3A_384 : vector<16xi32>
        %lt3A_386 = arith.constant 0 : i32
        %lt3A_387 = vector.broadcast %lt3A_386 : i32 to vector<16xi32>
        %lt3A_388 = arith.cmpi slt, %sub3A_385, %lt3A_387 : vector<16xi32>
        %ge3A_389 = arith.constant 32 : i32
        %ge3A_390 = vector.broadcast %ge3A_389 : i32 to vector<16xi32>
        %ge3A_391 = arith.cmpi sge, %sub3A_385, %ge3A_390 : vector<16xi32>
        %or3A_392 = arith.ori %lt3A_388, %ge3A_391 : vector<16xi1>
        %mul3A_393 = arith.constant 2048 : i32
        %mul3A_394 = vector.broadcast %mul3A_393 : i32 to vector<16xi32>
        %mul3A_395 = arith.muli %sub3A_385, %mul3A_394 : vector<16xi32>
        %add3A_396 = arith.addi %mul3A_395, %get3A_383 : vector<16xi32>
        %jit3A_397 = arith.constant 65536 : i32
        %broadcast_in_dim3A_398 = vector.broadcast %jit3A_397 : i32 to vector<16xi32>
        %select_n3A_399 = arith.select %or3A_392, %broadcast_in_dim3A_398, %add3A_396 : vector<16xi1>, vector<16xi32>
        tpu.vector_store_idx %arg8[%select_n3A_399], %broadcast_in_dim3A_1 {add = true} : memref<81920xf32, #tpu.memory_space<vmem>>[vector<16xi32>], vector<16xf32>,
        %get3A_400 = arith.constant 288 : index
        %get3A_401 = tpu.vector_load %arg9[%get3A_400] {strides = array<i32>} : memref<512xi32, #tpu.memory_space<vmem>>, vector<16xi32>,
        %get3A_402 = arith.constant 288 : index
        %get3A_403 = tpu.vector_load %arg10[%get3A_402] {strides = array<i32>} : memref<512xi32, #tpu.memory_space<vmem>>, vector<16xi32>,
        %sub3A_404 = vector.broadcast %mul3A_12 : i32 to vector<16xi32>
        %sub3A_405 = arith.subi %get3A_401, %sub3A_404 : vector<16xi32>
        %lt3A_406 = arith.constant 0 : i32
        %lt3A_407 = vector.broadcast %lt3A_406 : i32 to vector<16xi32>
        %lt3A_408 = arith.cmpi slt, %sub3A_405, %lt3A_407 : vector<16xi32>
        %ge3A_409 = arith.constant 32 : i32
        %ge3A_410 = vector.broadcast %ge3A_409 : i32 to vector<16xi32>
        %ge3A_411 = arith.cmpi sge, %sub3A_405, %ge3A_410 : vector<16xi32>
        %or3A_412 = arith.ori %lt3A_408, %ge3A_411 : vector<16xi1>
        %mul3A_413 = arith.constant 2048 : i32
        %mul3A_414 = vector.broadcast %mul3A_413 : i32 to vector<16xi32>
        %mul3A_415 = arith.muli %sub3A_405, %mul3A_414 : vector<16xi32>
        %add3A_416 = arith.addi %mul3A_415, %get3A_403 : vector<16xi32>
        %jit3A_417 = arith.constant 65536 : i32
        %broadcast_in_dim3A_418 = vector.broadcast %jit3A_417 : i32 to vector<16xi32>
        %select_n3A_419 = arith.select %or3A_412, %broadcast_in_dim3A_418, %add3A_416 : vector<16xi1>, vector<16xi32>
        tpu.vector_store_idx %arg8[%select_n3A_419], %broadcast_in_dim3A_1 {add = true} : memref<81920xf32, #tpu.memory_space<vmem>>[vector<16xi32>], vector<16xf32>,
        %get3A_420 = arith.constant 304 : index
        %get3A_421 = tpu.vector_load %arg9[%get3A_420] {strides = array<i32>} : memref<512xi32, #tpu.memory_space<vmem>>, vector<16xi32>,
        %get3A_422 = arith.constant 304 : index
        %get3A_423 = tpu.vector_load %arg10[%get3A_422] {strides = array<i32>} : memref<512xi32, #tpu.memory_space<vmem>>, vector<16xi32>,
        %sub3A_424 = vector.broadcast %mul3A_12 : i32 to vector<16xi32>
        %sub3A_425 = arith.subi %get3A_421, %sub3A_424 : vector<16xi32>
        %lt3A_426 = arith.constant 0 : i32
        %lt3A_427 = vector.broadcast %lt3A_426 : i32 to vector<16xi32>
        %lt3A_428 = arith.cmpi slt, %sub3A_425, %lt3A_427 : vector<16xi32>
        %ge3A_429 = arith.constant 32 : i32
        %ge3A_430 = vector.broadcast %ge3A_429 : i32 to vector<16xi32>
        %ge3A_431 = arith.cmpi sge, %sub3A_425, %ge3A_430 : vector<16xi32>
        %or3A_432 = arith.ori %lt3A_428, %ge3A_431 : vector<16xi1>
        %mul3A_433 = arith.constant 2048 : i32
        %mul3A_434 = vector.broadcast %mul3A_433 : i32 to vector<16xi32>
        %mul3A_435 = arith.muli %sub3A_425, %mul3A_434 : vector<16xi32>
        %add3A_436 = arith.addi %mul3A_435, %get3A_423 : vector<16xi32>
        %jit3A_437 = arith.constant 65536 : i32
        %broadcast_in_dim3A_438 = vector.broadcast %jit3A_437 : i32 to vector<16xi32>
        %select_n3A_439 = arith.select %or3A_432, %broadcast_in_dim3A_438, %add3A_436 : vector<16xi1>, vector<16xi32>
        tpu.vector_store_idx %arg8[%select_n3A_439], %broadcast_in_dim3A_1 {add = true} : memref<81920xf32, #tpu.memory_space<vmem>>[vector<16xi32>], vector<16xf32>,
        %get3A_440 = arith.constant 320 : index
        %get3A_441 = tpu.vector_load %arg9[%get3A_440] {strides = array<i32>} : memref<512xi32, #tpu.memory_space<vmem>>, vector<16xi32>,
        %get3A_442 = arith.constant 320 : index
        %get3A_443 = tpu.vector_load %arg10[%get3A_442] {strides = array<i32>} : memref<512xi32, #tpu.memory_space<vmem>>, vector<16xi32>,
        %sub3A_444 = vector.broadcast %mul3A_12 : i32 to vector<16xi32>
        %sub3A_445 = arith.subi %get3A_441, %sub3A_444 : vector<16xi32>
        %lt3A_446 = arith.constant 0 : i32
        %lt3A_447 = vector.broadcast %lt3A_446 : i32 to vector<16xi32>
        %lt3A_448 = arith.cmpi slt, %sub3A_445, %lt3A_447 : vector<16xi32>
        %ge3A_449 = arith.constant 32 : i32
        %ge3A_450 = vector.broadcast %ge3A_449 : i32 to vector<16xi32>
        %ge3A_451 = arith.cmpi sge, %sub3A_445, %ge3A_450 : vector<16xi32>
        %or3A_452 = arith.ori %lt3A_448, %ge3A_451 : vector<16xi1>
        %mul3A_453 = arith.constant 2048 : i32
        %mul3A_454 = vector.broadcast %mul3A_453 : i32 to vector<16xi32>
        %mul3A_455 = arith.muli %sub3A_445, %mul3A_454 : vector<16xi32>
        %add3A_456 = arith.addi %mul3A_455, %get3A_443 : vector<16xi32>
        %jit3A_457 = arith.constant 65536 : i32
        %broadcast_in_dim3A_458 = vector.broadcast %jit3A_457 : i32 to vector<16xi32>
        %select_n3A_459 = arith.select %or3A_452, %broadcast_in_dim3A_458, %add3A_456 : vector<16xi1>, vector<16xi32>
        tpu.vector_store_idx %arg8[%select_n3A_459], %broadcast_in_dim3A_1 {add = true} : memref<81920xf32, #tpu.memory_space<vmem>>[vector<16xi32>], vector<16xf32>,
        %get3A_460 = arith.constant 336 : index
        %get3A_461 = tpu.vector_load %arg9[%get3A_460] {strides = array<i32>} : memref<512xi32, #tpu.memory_space<vmem>>, vector<16xi32>,
        %get3A_462 = arith.constant 336 : index
        %get3A_463 = tpu.vector_load %arg10[%get3A_462] {strides = array<i32>} : memref<512xi32, #tpu.memory_space<vmem>>, vector<16xi32>,
        %sub3A_464 = vector.broadcast %mul3A_12 : i32 to vector<16xi32>
        %sub3A_465 = arith.subi %get3A_461, %sub3A_464 : vector<16xi32>
        %lt3A_466 = arith.constant 0 : i32
        %lt3A_467 = vector.broadcast %lt3A_466 : i32 to vector<16xi32>
        %lt3A_468 = arith.cmpi slt, %sub3A_465, %lt3A_467 : vector<16xi32>
        %ge3A_469 = arith.constant 32 : i32
        %ge3A_470 = vector.broadcast %ge3A_469 : i32 to vector<16xi32>
        %ge3A_471 = arith.cmpi sge, %sub3A_465, %ge3A_470 : vector<16xi32>
        %or3A_472 = arith.ori %lt3A_468, %ge3A_471 : vector<16xi1>
        %mul3A_473 = arith.constant 2048 : i32
        %mul3A_474 = vector.broadcast %mul3A_473 : i32 to vector<16xi32>
        %mul3A_475 = arith.muli %sub3A_465, %mul3A_474 : vector<16xi32>
        %add3A_476 = arith.addi %mul3A_475, %get3A_463 : vector<16xi32>
        %jit3A_477 = arith.constant 65536 : i32
        %broadcast_in_dim3A_478 = vector.broadcast %jit3A_477 : i32 to vector<16xi32>
        %select_n3A_479 = arith.select %or3A_472, %broadcast_in_dim3A_478, %add3A_476 : vector<16xi1>, vector<16xi32>
        tpu.vector_store_idx %arg8[%select_n3A_479], %broadcast_in_dim3A_1 {add = true} : memref<81920xf32, #tpu.memory_space<vmem>>[vector<16xi32>], vector<16xf32>,
        %get3A_480 = arith.constant 352 : index
        %get3A_481 = tpu.vector_load %arg9[%get3A_480] {strides = array<i32>} : memref<512xi32, #tpu.memory_space<vmem>>, vector<16xi32>,
        %get3A_482 = arith.constant 352 : index
        %get3A_483 = tpu.vector_load %arg10[%get3A_482] {strides = array<i32>} : memref<512xi32, #tpu.memory_space<vmem>>, vector<16xi32>,
        %sub3A_484 = vector.broadcast %mul3A_12 : i32 to vector<16xi32>
        %sub3A_485 = arith.subi %get3A_481, %sub3A_484 : vector<16xi32>
        %lt3A_486 = arith.constant 0 : i32
        %lt3A_487 = vector.broadcast %lt3A_486 : i32 to vector<16xi32>
        %lt3A_488 = arith.cmpi slt, %sub3A_485, %lt3A_487 : vector<16xi32>
        %ge3A_489 = arith.constant 32 : i32
        %ge3A_490 = vector.broadcast %ge3A_489 : i32 to vector<16xi32>
        %ge3A_491 = arith.cmpi sge, %sub3A_485, %ge3A_490 : vector<16xi32>
        %or3A_492 = arith.ori %lt3A_488, %ge3A_491 : vector<16xi1>
        %mul3A_493 = arith.constant 2048 : i32
        %mul3A_494 = vector.broadcast %mul3A_493 : i32 to vector<16xi32>
        %mul3A_495 = arith.muli %sub3A_485, %mul3A_494 : vector<16xi32>
        %add3A_496 = arith.addi %mul3A_495, %get3A_483 : vector<16xi32>
        %jit3A_497 = arith.constant 65536 : i32
        %broadcast_in_dim3A_498 = vector.broadcast %jit3A_497 : i32 to vector<16xi32>
        %select_n3A_499 = arith.select %or3A_492, %broadcast_in_dim3A_498, %add3A_496 : vector<16xi1>, vector<16xi32>
        tpu.vector_store_idx %arg8[%select_n3A_499], %broadcast_in_dim3A_1 {add = true} : memref<81920xf32, #tpu.memory_space<vmem>>[vector<16xi32>], vector<16xf32>,
        %get3A_500 = arith.constant 368 : index
        %get3A_501 = tpu.vector_load %arg9[%get3A_500] {strides = array<i32>} : memref<512xi32, #tpu.memory_space<vmem>>, vector<16xi32>,
        %get3A_502 = arith.constant 368 : index
        %get3A_503 = tpu.vector_load %arg10[%get3A_502] {strides = array<i32>} : memref<512xi32, #tpu.memory_space<vmem>>, vector<16xi32>,
        %sub3A_504 = vector.broadcast %mul3A_12 : i32 to vector<16xi32>
        %sub3A_505 = arith.subi %get3A_501, %sub3A_504 : vector<16xi32>
        %lt3A_506 = arith.constant 0 : i32
        %lt3A_507 = vector.broadcast %lt3A_506 : i32 to vector<16xi32>
        %lt3A_508 = arith.cmpi slt, %sub3A_505, %lt3A_507 : vector<16xi32>
        %ge3A_509 = arith.constant 32 : i32
        %ge3A_510 = vector.broadcast %ge3A_509 : i32 to vector<16xi32>
        %ge3A_511 = arith.cmpi sge, %sub3A_505, %ge3A_510 : vector<16xi32>
        %or3A_512 = arith.ori %lt3A_508, %ge3A_511 : vector<16xi1>
        %mul3A_513 = arith.constant 2048 : i32
        %mul3A_514 = vector.broadcast %mul3A_513 : i32 to vector<16xi32>
        %mul3A_515 = arith.muli %sub3A_505, %mul3A_514 : vector<16xi32>
        %add3A_516 = arith.addi %mul3A_515, %get3A_503 : vector<16xi32>
        %jit3A_517 = arith.constant 65536 : i32
        %broadcast_in_dim3A_518 = vector.broadcast %jit3A_517 : i32 to vector<16xi32>
        %select_n3A_519 = arith.select %or3A_512, %broadcast_in_dim3A_518, %add3A_516 : vector<16xi1>, vector<16xi32>
        tpu.vector_store_idx %arg8[%select_n3A_519], %broadcast_in_dim3A_1 {add = true} : memref<81920xf32, #tpu.memory_space<vmem>>[vector<16xi32>], vector<16xf32>,
        %get3A_520 = arith.constant 384 : index
        %get3A_521 = tpu.vector_load %arg9[%get3A_520] {strides = array<i32>} : memref<512xi32, #tpu.memory_space<vmem>>, vector<16xi32>,
        %get3A_522 = arith.constant 384 : index
        %get3A_523 = tpu.vector_load %arg10[%get3A_522] {strides = array<i32>} : memref<512xi32, #tpu.memory_space<vmem>>, vector<16xi32>,
        %sub3A_524 = vector.broadcast %mul3A_12 : i32 to vector<16xi32>
        %sub3A_525 = arith.subi %get3A_521, %sub3A_524 : vector<16xi32>
        %lt3A_526 = arith.constant 0 : i32
        %lt3A_527 = vector.broadcast %lt3A_526 : i32 to vector<16xi32>
        %lt3A_528 = arith.cmpi slt, %sub3A_525, %lt3A_527 : vector<16xi32>
        %ge3A_529 = arith.constant 32 : i32
        %ge3A_530 = vector.broadcast %ge3A_529 : i32 to vector<16xi32>
        %ge3A_531 = arith.cmpi sge, %sub3A_525, %ge3A_530 : vector<16xi32>
        %or3A_532 = arith.ori %lt3A_528, %ge3A_531 : vector<16xi1>
        %mul3A_533 = arith.constant 2048 : i32
        %mul3A_534 = vector.broadcast %mul3A_533 : i32 to vector<16xi32>
        %mul3A_535 = arith.muli %sub3A_525, %mul3A_534 : vector<16xi32>
        %add3A_536 = arith.addi %mul3A_535, %get3A_523 : vector<16xi32>
        %jit3A_537 = arith.constant 65536 : i32
        %broadcast_in_dim3A_538 = vector.broadcast %jit3A_537 : i32 to vector<16xi32>
        %select_n3A_539 = arith.select %or3A_532, %broadcast_in_dim3A_538, %add3A_536 : vector<16xi1>, vector<16xi32>
        tpu.vector_store_idx %arg8[%select_n3A_539], %broadcast_in_dim3A_1 {add = true} : memref<81920xf32, #tpu.memory_space<vmem>>[vector<16xi32>], vector<16xf32>,
        %get3A_540 = arith.constant 400 : index
        %get3A_541 = tpu.vector_load %arg9[%get3A_540] {strides = array<i32>} : memref<512xi32, #tpu.memory_space<vmem>>, vector<16xi32>,
        %get3A_542 = arith.constant 400 : index
        %get3A_543 = tpu.vector_load %arg10[%get3A_542] {strides = array<i32>} : memref<512xi32, #tpu.memory_space<vmem>>, vector<16xi32>,
        %sub3A_544 = vector.broadcast %mul3A_12 : i32 to vector<16xi32>
        %sub3A_545 = arith.subi %get3A_541, %sub3A_544 : vector<16xi32>
        %lt3A_546 = arith.constant 0 : i32
        %lt3A_547 = vector.broadcast %lt3A_546 : i32 to vector<16xi32>
        %lt3A_548 = arith.cmpi slt, %sub3A_545, %lt3A_547 : vector<16xi32>
        %ge3A_549 = arith.constant 32 : i32
        %ge3A_550 = vector.broadcast %ge3A_549 : i32 to vector<16xi32>
        %ge3A_551 = arith.cmpi sge, %sub3A_545, %ge3A_550 : vector<16xi32>
        %or3A_552 = arith.ori %lt3A_548, %ge3A_551 : vector<16xi1>
        %mul3A_553 = arith.constant 2048 : i32
        %mul3A_554 = vector.broadcast %mul3A_553 : i32 to vector<16xi32>
        %mul3A_555 = arith.muli %sub3A_545, %mul3A_554 : vector<16xi32>
        %add3A_556 = arith.addi %mul3A_555, %get3A_543 : vector<16xi32>
        %jit3A_557 = arith.constant 65536 : i32
        %broadcast_in_dim3A_558 = vector.broadcast %jit3A_557 : i32 to vector<16xi32>
        %select_n3A_559 = arith.select %or3A_552, %broadcast_in_dim3A_558, %add3A_556 : vector<16xi1>, vector<16xi32>
        tpu.vector_store_idx %arg8[%select_n3A_559], %broadcast_in_dim3A_1 {add = true} : memref<81920xf32, #tpu.memory_space<vmem>>[vector<16xi32>], vector<16xf32>,
        %get3A_560 = arith.constant 416 : index
        %get3A_561 = tpu.vector_load %arg9[%get3A_560] {strides = array<i32>} : memref<512xi32, #tpu.memory_space<vmem>>, vector<16xi32>,
        %get3A_562 = arith.constant 416 : index
        %get3A_563 = tpu.vector_load %arg10[%get3A_562] {strides = array<i32>} : memref<512xi32, #tpu.memory_space<vmem>>, vector<16xi32>,
        %sub3A_564 = vector.broadcast %mul3A_12 : i32 to vector<16xi32>
        %sub3A_565 = arith.subi %get3A_561, %sub3A_564 : vector<16xi32>
        %lt3A_566 = arith.constant 0 : i32
        %lt3A_567 = vector.broadcast %lt3A_566 : i32 to vector<16xi32>
        %lt3A_568 = arith.cmpi slt, %sub3A_565, %lt3A_567 : vector<16xi32>
        %ge3A_569 = arith.constant 32 : i32
        %ge3A_570 = vector.broadcast %ge3A_569 : i32 to vector<16xi32>
        %ge3A_571 = arith.cmpi sge, %sub3A_565, %ge3A_570 : vector<16xi32>
        %or3A_572 = arith.ori %lt3A_568, %ge3A_571 : vector<16xi1>
        %mul3A_573 = arith.constant 2048 : i32
        %mul3A_574 = vector.broadcast %mul3A_573 : i32 to vector<16xi32>
        %mul3A_575 = arith.muli %sub3A_565, %mul3A_574 : vector<16xi32>
        %add3A_576 = arith.addi %mul3A_575, %get3A_563 : vector<16xi32>
        %jit3A_577 = arith.constant 65536 : i32
        %broadcast_in_dim3A_578 = vector.broadcast %jit3A_577 : i32 to vector<16xi32>
        %select_n3A_579 = arith.select %or3A_572, %broadcast_in_dim3A_578, %add3A_576 : vector<16xi1>, vector<16xi32>
        tpu.vector_store_idx %arg8[%select_n3A_579], %broadcast_in_dim3A_1 {add = true} : memref<81920xf32, #tpu.memory_space<vmem>>[vector<16xi32>], vector<16xf32>,
        %get3A_580 = arith.constant 432 : index
        %get3A_581 = tpu.vector_load %arg9[%get3A_580] {strides = array<i32>} : memref<512xi32, #tpu.memory_space<vmem>>, vector<16xi32>,
        %get3A_582 = arith.constant 432 : index
        %get3A_583 = tpu.vector_load %arg10[%get3A_582] {strides = array<i32>} : memref<512xi32, #tpu.memory_space<vmem>>, vector<16xi32>,
        %sub3A_584 = vector.broadcast %mul3A_12 : i32 to vector<16xi32>
        %sub3A_585 = arith.subi %get3A_581, %sub3A_584 : vector<16xi32>
        %lt3A_586 = arith.constant 0 : i32
        %lt3A_587 = vector.broadcast %lt3A_586 : i32 to vector<16xi32>
        %lt3A_588 = arith.cmpi slt, %sub3A_585, %lt3A_587 : vector<16xi32>
        %ge3A_589 = arith.constant 32 : i32
        %ge3A_590 = vector.broadcast %ge3A_589 : i32 to vector<16xi32>
        %ge3A_591 = arith.cmpi sge, %sub3A_585, %ge3A_590 : vector<16xi32>
        %or3A_592 = arith.ori %lt3A_588, %ge3A_591 : vector<16xi1>
        %mul3A_593 = arith.constant 2048 : i32
        %mul3A_594 = vector.broadcast %mul3A_593 : i32 to vector<16xi32>
        %mul3A_595 = arith.muli %sub3A_585, %mul3A_594 : vector<16xi32>
        %add3A_596 = arith.addi %mul3A_595, %get3A_583 : vector<16xi32>
        %jit3A_597 = arith.constant 65536 : i32
        %broadcast_in_dim3A_598 = vector.broadcast %jit3A_597 : i32 to vector<16xi32>
        %select_n3A_599 = arith.select %or3A_592, %broadcast_in_dim3A_598, %add3A_596 : vector<16xi1>, vector<16xi32>
        tpu.vector_store_idx %arg8[%select_n3A_599], %broadcast_in_dim3A_1 {add = true} : memref<81920xf32, #tpu.memory_space<vmem>>[vector<16xi32>], vector<16xf32>,
        %get3A_600 = arith.constant 448 : index
        %get3A_601 = tpu.vector_load %arg9[%get3A_600] {strides = array<i32>} : memref<512xi32, #tpu.memory_space<vmem>>, vector<16xi32>,
        %get3A_602 = arith.constant 448 : index
        %get3A_603 = tpu.vector_load %arg10[%get3A_602] {strides = array<i32>} : memref<512xi32, #tpu.memory_space<vmem>>, vector<16xi32>,
        %sub3A_604 = vector.broadcast %mul3A_12 : i32 to vector<16xi32>
        %sub3A_605 = arith.subi %get3A_601, %sub3A_604 : vector<16xi32>
        %lt3A_606 = arith.constant 0 : i32
        %lt3A_607 = vector.broadcast %lt3A_606 : i32 to vector<16xi32>
        %lt3A_608 = arith.cmpi slt, %sub3A_605, %lt3A_607 : vector<16xi32>
        %ge3A_609 = arith.constant 32 : i32
        %ge3A_610 = vector.broadcast %ge3A_609 : i32 to vector<16xi32>
        %ge3A_611 = arith.cmpi sge, %sub3A_605, %ge3A_610 : vector<16xi32>
        %or3A_612 = arith.ori %lt3A_608, %ge3A_611 : vector<16xi1>
        %mul3A_613 = arith.constant 2048 : i32
        %mul3A_614 = vector.broadcast %mul3A_613 : i32 to vector<16xi32>
        %mul3A_615 = arith.muli %sub3A_605, %mul3A_614 : vector<16xi32>
        %add3A_616 = arith.addi %mul3A_615, %get3A_603 : vector<16xi32>
        %jit3A_617 = arith.constant 65536 : i32
        %broadcast_in_dim3A_618 = vector.broadcast %jit3A_617 : i32 to vector<16xi32>
        %select_n3A_619 = arith.select %or3A_612, %broadcast_in_dim3A_618, %add3A_616 : vector<16xi1>, vector<16xi32>
        tpu.vector_store_idx %arg8[%select_n3A_619], %broadcast_in_dim3A_1 {add = true} : memref<81920xf32, #tpu.memory_space<vmem>>[vector<16xi32>], vector<16xf32>,
        %get3A_620 = arith.constant 464 : index
        %get3A_621 = tpu.vector_load %arg9[%get3A_620] {strides = array<i32>} : memref<512xi32, #tpu.memory_space<vmem>>, vector<16xi32>,
        %get3A_622 = arith.constant 464 : index
        %get3A_623 = tpu.vector_load %arg10[%get3A_622] {strides = array<i32>} : memref<512xi32, #tpu.memory_space<vmem>>, vector<16xi32>,
        %sub3A_624 = vector.broadcast %mul3A_12 : i32 to vector<16xi32>
        %sub3A_625 = arith.subi %get3A_621, %sub3A_624 : vector<16xi32>
        %lt3A_626 = arith.constant 0 : i32
        %lt3A_627 = vector.broadcast %lt3A_626 : i32 to vector<16xi32>
        %lt3A_628 = arith.cmpi slt, %sub3A_625, %lt3A_627 : vector<16xi32>
        %ge3A_629 = arith.constant 32 : i32
        %ge3A_630 = vector.broadcast %ge3A_629 : i32 to vector<16xi32>
        %ge3A_631 = arith.cmpi sge, %sub3A_625, %ge3A_630 : vector<16xi32>
        %or3A_632 = arith.ori %lt3A_628, %ge3A_631 : vector<16xi1>
        %mul3A_633 = arith.constant 2048 : i32
        %mul3A_634 = vector.broadcast %mul3A_633 : i32 to vector<16xi32>
        %mul3A_635 = arith.muli %sub3A_625, %mul3A_634 : vector<16xi32>
        %add3A_636 = arith.addi %mul3A_635, %get3A_623 : vector<16xi32>
        %jit3A_637 = arith.constant 65536 : i32
        %broadcast_in_dim3A_638 = vector.broadcast %jit3A_637 : i32 to vector<16xi32>
        %select_n3A_639 = arith.select %or3A_632, %broadcast_in_dim3A_638, %add3A_636 : vector<16xi1>, vector<16xi32>
        tpu.vector_store_idx %arg8[%select_n3A_639], %broadcast_in_dim3A_1 {add = true} : memref<81920xf32, #tpu.memory_space<vmem>>[vector<16xi32>], vector<16xf32>,
        %get3A_640 = arith.constant 480 : index
        %get3A_641 = tpu.vector_load %arg9[%get3A_640] {strides = array<i32>} : memref<512xi32, #tpu.memory_space<vmem>>, vector<16xi32>,
        %get3A_642 = arith.constant 480 : index
        %get3A_643 = tpu.vector_load %arg10[%get3A_642] {strides = array<i32>} : memref<512xi32, #tpu.memory_space<vmem>>, vector<16xi32>,
        %sub3A_644 = vector.broadcast %mul3A_12 : i32 to vector<16xi32>
        %sub3A_645 = arith.subi %get3A_641, %sub3A_644 : vector<16xi32>
        %lt3A_646 = arith.constant 0 : i32
        %lt3A_647 = vector.broadcast %lt3A_646 : i32 to vector<16xi32>
        %lt3A_648 = arith.cmpi slt, %sub3A_645, %lt3A_647 : vector<16xi32>
        %ge3A_649 = arith.constant 32 : i32
        %ge3A_650 = vector.broadcast %ge3A_649 : i32 to vector<16xi32>
        %ge3A_651 = arith.cmpi sge, %sub3A_645, %ge3A_650 : vector<16xi32>
        %or3A_652 = arith.ori %lt3A_648, %ge3A_651 : vector<16xi1>
        %mul3A_653 = arith.constant 2048 : i32
        %mul3A_654 = vector.broadcast %mul3A_653 : i32 to vector<16xi32>
        %mul3A_655 = arith.muli %sub3A_645, %mul3A_654 : vector<16xi32>
        %add3A_656 = arith.addi %mul3A_655, %get3A_643 : vector<16xi32>
        %jit3A_657 = arith.constant 65536 : i32
        %broadcast_in_dim3A_658 = vector.broadcast %jit3A_657 : i32 to vector<16xi32>
        %select_n3A_659 = arith.select %or3A_652, %broadcast_in_dim3A_658, %add3A_656 : vector<16xi1>, vector<16xi32>
        tpu.vector_store_idx %arg8[%select_n3A_659], %broadcast_in_dim3A_1 {add = true} : memref<81920xf32, #tpu.memory_space<vmem>>[vector<16xi32>], vector<16xf32>,
        %get3A_660 = arith.constant 496 : index
        %get3A_661 = tpu.vector_load %arg9[%get3A_660] {strides = array<i32>} : memref<512xi32, #tpu.memory_space<vmem>>, vector<16xi32>,
        %get3A_662 = arith.constant 496 : index
        %get3A_663 = tpu.vector_load %arg10[%get3A_662] {strides = array<i32>} : memref<512xi32, #tpu.memory_space<vmem>>, vector<16xi32>,
        %sub3A_664 = vector.broadcast %mul3A_12 : i32 to vector<16xi32>
        %sub3A_665 = arith.subi %get3A_661, %sub3A_664 : vector<16xi32>
        %lt3A_666 = arith.constant 0 : i32
        %lt3A_667 = vector.broadcast %lt3A_666 : i32 to vector<16xi32>
        %lt3A_668 = arith.cmpi slt, %sub3A_665, %lt3A_667 : vector<16xi32>
        %ge3A_669 = arith.constant 32 : i32
        %ge3A_670 = vector.broadcast %ge3A_669 : i32 to vector<16xi32>
        %ge3A_671 = arith.cmpi sge, %sub3A_665, %ge3A_670 : vector<16xi32>
        %or3A_672 = arith.ori %lt3A_668, %ge3A_671 : vector<16xi1>
        %mul3A_673 = arith.constant 2048 : i32
        %mul3A_674 = vector.broadcast %mul3A_673 : i32 to vector<16xi32>
        %mul3A_675 = arith.muli %sub3A_665, %mul3A_674 : vector<16xi32>
        %add3A_676 = arith.addi %mul3A_675, %get3A_663 : vector<16xi32>
        %jit3A_677 = arith.constant 65536 : i32
        %broadcast_in_dim3A_678 = vector.broadcast %jit3A_677 : i32 to vector<16xi32>
        %select_n3A_679 = arith.select %or3A_672, %broadcast_in_dim3A_678, %add3A_676 : vector<16xi1>, vector<16xi32>
        tpu.vector_store_idx %arg8[%select_n3A_679], %broadcast_in_dim3A_1 {add = true} : memref<81920xf32, #tpu.memory_space<vmem>>[vector<16xi32>], vector<16xf32>,
      }
      %mul3A_40 = arith.constant 2048 : i32
      %mul3A_41 = arith.muli %mul3A_12, %mul3A_40 : i32
      "tpu.region"() ({
        %run_scoped3A = tpu.sem_alloc : memref<!tpu.dma_semaphore, #tpu.memory_space<semaphore_mem>>
        %dma_start3A = arith.constant 0 : i32
        %dma_start3A_42 = tpu.memref_slice %arg8[%dma_start3A] : memref<81920xf32, #tpu.memory_space<vmem>> -> memref<65536xf32, #tpu.memory_space<vmem>>
        %dma_start3A_43 = tpu.memref_slice %arg7[%mul3A_41] : memref<20971520xf32, #tpu.memory_space<hbm>> -> memref<65536xf32, #tpu.memory_space<hbm>>
        %dma_start3A_44 = tpu.memref_slice %arg7[%mul3A_41] : memref<20971520xf32, #tpu.memory_space<hbm>> -> memref<65536xf32, #tpu.memory_space<hbm>>
        %dma_start3A_45 = arith.constant 0 : i32
        %dma_start3A_46 = tpu.memref_slice %arg8[%dma_start3A_45] : memref<81920xf32, #tpu.memory_space<vmem>> -> memref<65536xf32, #tpu.memory_space<vmem>>
        tpu.enqueue_dma source(%dma_start3A_46 : memref<65536xf32, #tpu.memory_space<vmem>>) target(%dma_start3A_44 : memref<65536xf32, #tpu.memory_space<hbm>>) target_semaphore(%run_scoped3A : memref<!tpu.dma_semaphore, #tpu.memory_space<semaphore_mem>>)
        %dma_wait3A = arith.constant 0 : i32
        %dma_wait3A_47 = tpu.memref_slice %arg8[%dma_wait3A] : memref<81920xf32, #tpu.memory_space<vmem>> -> memref<65536xf32, #tpu.memory_space<vmem>>
        %dma_wait3A_48 = tpu.memref_slice %arg7[%mul3A_41] : memref<20971520xf32, #tpu.memory_space<hbm>> -> memref<65536xf32, #tpu.memory_space<hbm>>
        %dma_wait3A_49 = tpu.memref_slice %arg7[%mul3A_41] : memref<20971520xf32, #tpu.memory_space<hbm>> -> memref<65536xf32, #tpu.memory_space<hbm>>
        %dma_wait3A_50 = arith.constant 0 : i32
        %dma_wait3A_51 = tpu.memref_slice %arg8[%dma_wait3A_50] : memref<81920xf32, #tpu.memory_space<vmem>> -> memref<65536xf32, #tpu.memory_space<vmem>>
        tpu.wait_dma2 semaphore(%run_scoped3A : memref<!tpu.dma_semaphore, #tpu.memory_space<semaphore_mem>>) src(%dma_wait3A_51 : memref<65536xf32, #tpu.memory_space<vmem>>) dst(%dma_wait3A_49 : memref<65536xf32, #tpu.memory_space<hbm>>)
        tpu.yield
      }) : () -> ()
    }
    %scan3A_6 = arith.constant 10 : i32
    return
  }
}

module attributes {stable_mosaic.version = 14 : i64} {
  func.func @_tc_mlp_body(%arg0: i32, %arg1: memref<512x2048xf32, #tpu.memory_space<vmem>>, %arg2: memref<2048x1024xbf16, #tpu.memory_space<vmem>>, %arg3: memref<4x512x128xf32, #tpu.memory_space<vmem>>, %arg4: memref<384x384xf32, #tpu.memory_space<vmem>>, %arg5: memref<1x384xf32, #tpu.memory_space<vmem>>, %arg6: memref<384x12xf32, #tpu.memory_space<vmem>>, %arg7: memref<1x12xf32, #tpu.memory_space<vmem>>, %arg8: memref<384x12xf32, #tpu.memory_space<vmem>>, %arg9: memref<1x12xf32, #tpu.memory_space<vmem>>, %arg10: memref<4x512x12xf32, #tpu.memory_space<vmem>>, %arg11: memref<4x512x12xf32, #tpu.memory_space<vmem>>) attributes {dimension_semantics = [#tpu.dimension_semantics<arbitrary>], iteration_bounds = array<i64: 20>, scalar_prefetch = 0 : i64, scratch_operands = 0 : i64, tpu.core_type = #tpu.core_type<tc>, window_params = [{transform_indices = @transform_0, window_bounds = array<i64: 512, 2048>}, {pipeline_mode = #tpu.pipeline_mode<synchronous>, transform_indices = @transform_1, window_bounds = array<i64: 2048, 1024>}, {transform_indices = @transform_2, window_bounds = array<i64: 4, 512, 128>}, {pipeline_mode = #tpu.pipeline_mode<synchronous>, transform_indices = @transform_3, window_bounds = array<i64: 384, 384>}, {pipeline_mode = #tpu.pipeline_mode<synchronous>, transform_indices = @transform_4, window_bounds = array<i64: 1, 384>}, {pipeline_mode = #tpu.pipeline_mode<synchronous>, transform_indices = @transform_5, window_bounds = array<i64: 384, 12>}, {pipeline_mode = #tpu.pipeline_mode<synchronous>, transform_indices = @transform_6, window_bounds = array<i64: 1, 12>}, {pipeline_mode = #tpu.pipeline_mode<synchronous>, transform_indices = @transform_7, window_bounds = array<i64: 384, 12>}, {pipeline_mode = #tpu.pipeline_mode<synchronous>, transform_indices = @transform_8, window_bounds = array<i64: 1, 12>}, {transform_indices = @transform_9, window_bounds = array<i64: 4, 512, 12>}, {transform_indices = @transform_10, window_bounds = array<i64: 4, 512, 12>}]} {
    %get3A = arith.constant 0 : index
    %get3A_0 = arith.constant 0 : index
    %get3A_1 = vector.load %arg1[%get3A, %get3A_0] : memref<512x2048xf32, #tpu.memory_space<vmem>>, vector<512x2048xf32>
    %convert_element_type3A = arith.truncf %get3A_1 : vector<512x2048xf32> to vector<512x2048xbf16>
    %get3A_2 = arith.constant 0 : index
    %get3A_3 = arith.constant 0 : index
    %get3A_4 = vector.load %arg2[%get3A_2, %get3A_3] : memref<2048x1024xbf16, #tpu.memory_space<vmem>>, vector<2048x1024xbf16>
    %dot_general3A = arith.constant dense<0.000000e+00> : vector<512x1024xf32>
    %dot_general3A_5 = tpu.matmul %convert_element_type3A, %get3A_4, %dot_general3A {dimension_numbers = #tpu.dot_dimension_numbers<[1], [0], [0], [1], [0, 0, 1, 1], [], []>, transpose_lhs_hint = false} : vector<512x2048xbf16>, vector<2048x1024xbf16>, vector<512x1024xf32> -> vector<512x1024xf32>
    %reduce_sum3A = arith.constant dense<0.000000e+00> : vector<512xf32>
    %reduce_sum3A_6 = vector.multi_reduction <add>, %get3A_1, %reduce_sum3A [1] : vector<512x2048xf32> to vector<512xf32>
    %broadcast_in_dim3A = vector.shape_cast %reduce_sum3A_6 : vector<512xf32> to vector<512x1xf32>
    %max3A = arith.constant 1.000000e+00 : f32
    %max3A_7 = vector.broadcast %max3A : f32 to vector<512x1xf32>
    %max3A_8 = arith.maximumf %broadcast_in_dim3A, %max3A_7 : vector<512x1xf32>
    %div3A = arith.constant 1.000000e+00 : f32
    %div3A_9 = vector.broadcast %div3A : f32 to vector<512x1xf32>
    %div3A_10 = arith.divf %div3A_9, %max3A_8 : vector<512x1xf32>
    %get3A_11 = arith.constant 0 : index
    %get3A_12 = arith.constant 0 : index
    %get3A_13 = vector.load %arg4[%get3A_11, %get3A_12] : memref<384x384xf32, #tpu.memory_space<vmem>>, vector<384x384xf32>
    %get3A_14 = arith.constant 0 : index
    %get3A_15 = arith.constant 0 : index
    %get3A_16 = arith.constant 0 : index
    %get3A_17 = vector.load %arg3[%get3A_14, %get3A_15, %get3A_16] : memref<4x512x128xf32, #tpu.memory_space<vmem>>, vector<1x512x128xf32>
    %get3A_18 = vector.shape_cast %get3A_17 : vector<1x512x128xf32> to vector<512x128xf32>
    %slice3A = vector.extract_strided_slice %dot_general3A_5 {offsets = [0, 0], sizes = [512, 256], strides = [1, 1]} : vector<512x1024xf32> to vector<512x256xf32>
    %mul3A = vector.broadcast %div3A_10 : vector<512x1xf32> to vector<512x256xf32>
    %mul3A_19 = arith.mulf %slice3A, %mul3A : vector<512x256xf32>
    %concatenate3A = tpu.concatenate %get3A_18, %mul3A_19 in 1 : vector<512x128xf32>, vector<512x256xf32> -> vector<512x384xf32>
    %get3A_20 = arith.constant 1 : index
    %get3A_21 = arith.constant 0 : index
    %get3A_22 = arith.constant 0 : index
    %get3A_23 = vector.load %arg3[%get3A_20, %get3A_21, %get3A_22] : memref<4x512x128xf32, #tpu.memory_space<vmem>>, vector<1x512x128xf32>
    %get3A_24 = vector.shape_cast %get3A_23 : vector<1x512x128xf32> to vector<512x128xf32>
    %slice3A_25 = vector.extract_strided_slice %dot_general3A_5 {offsets = [0, 256], sizes = [512, 256], strides = [1, 1]} : vector<512x1024xf32> to vector<512x256xf32>
    %mul3A_26 = vector.broadcast %div3A_10 : vector<512x1xf32> to vector<512x256xf32>
    %mul3A_27 = arith.mulf %slice3A_25, %mul3A_26 : vector<512x256xf32>
    %concatenate3A_28 = tpu.concatenate %get3A_24, %mul3A_27 in 1 : vector<512x128xf32>, vector<512x256xf32> -> vector<512x384xf32>
    %get3A_29 = arith.constant 2 : index
    %get3A_30 = arith.constant 0 : index
    %get3A_31 = arith.constant 0 : index
    %get3A_32 = vector.load %arg3[%get3A_29, %get3A_30, %get3A_31] : memref<4x512x128xf32, #tpu.memory_space<vmem>>, vector<1x512x128xf32>
    %get3A_33 = vector.shape_cast %get3A_32 : vector<1x512x128xf32> to vector<512x128xf32>
    %slice3A_34 = vector.extract_strided_slice %dot_general3A_5 {offsets = [0, 512], sizes = [512, 256], strides = [1, 1]} : vector<512x1024xf32> to vector<512x256xf32>
    %mul3A_35 = vector.broadcast %div3A_10 : vector<512x1xf32> to vector<512x256xf32>
    %mul3A_36 = arith.mulf %slice3A_34, %mul3A_35 : vector<512x256xf32>
    %concatenate3A_37 = tpu.concatenate %get3A_33, %mul3A_36 in 1 : vector<512x128xf32>, vector<512x256xf32> -> vector<512x384xf32>
    %get3A_38 = arith.constant 3 : index
    %get3A_39 = arith.constant 0 : index
    %get3A_40 = arith.constant 0 : index
    %get3A_41 = vector.load %arg3[%get3A_38, %get3A_39, %get3A_40] : memref<4x512x128xf32, #tpu.memory_space<vmem>>, vector<1x512x128xf32>
    %get3A_42 = vector.shape_cast %get3A_41 : vector<1x512x128xf32> to vector<512x128xf32>
    %slice3A_43 = vector.extract_strided_slice %dot_general3A_5 {offsets = [0, 768], sizes = [512, 256], strides = [1, 1]} : vector<512x1024xf32> to vector<512x256xf32>
    %mul3A_44 = vector.broadcast %div3A_10 : vector<512x1xf32> to vector<512x256xf32>
    %mul3A_45 = arith.mulf %slice3A_43, %mul3A_44 : vector<512x256xf32>
    %concatenate3A_46 = tpu.concatenate %get3A_42, %mul3A_45 in 1 : vector<512x128xf32>, vector<512x256xf32> -> vector<512x384xf32>
    %concatenate3A_47 = tpu.concatenate %concatenate3A, %concatenate3A_28, %concatenate3A_37, %concatenate3A_46 in 0 : vector<512x384xf32>, vector<512x384xf32>, vector<512x384xf32>, vector<512x384xf32> -> vector<2048x384xf32>
    %dot_general3A_48 = arith.constant dense<0.000000e+00> : vector<2048x384xf32>
    %dot_general3A_49 = tpu.matmul %concatenate3A_47, %get3A_13, %dot_general3A_48 {dimension_numbers = #tpu.dot_dimension_numbers<[1], [0], [0], [1], [0, 0, 1, 1], [], []>, transpose_lhs_hint = false} : vector<2048x384xf32>, vector<384x384xf32>, vector<2048x384xf32> -> vector<2048x384xf32>
    %get3A_50 = arith.constant 0 : index
    %get3A_51 = arith.constant 0 : index
    %get3A_52 = vector.load %arg5[%get3A_50, %get3A_51] : memref<1x384xf32, #tpu.memory_space<vmem>>, vector<1x384xf32>
    %add3A = vector.broadcast %get3A_52 : vector<1x384xf32> to vector<2048x384xf32>
    %add3A_53 = arith.addf %dot_general3A_49, %add3A : vector<2048x384xf32>
    %max3A_54 = arith.constant 0.000000e+00 : f32
    %max3A_55 = vector.broadcast %max3A_54 : f32 to vector<2048x384xf32>
    %max3A_56 = arith.maximumf %add3A_53, %max3A_55 : vector<2048x384xf32>
    %get3A_57 = arith.constant 0 : index
    %get3A_58 = arith.constant 0 : index
    %get3A_59 = vector.load %arg6[%get3A_57, %get3A_58] : memref<384x12xf32, #tpu.memory_space<vmem>>, vector<384x12xf32>
    %dot_general3A_60 = arith.constant dense<0.000000e+00> : vector<2048x12xf32>
    %dot_general3A_61 = tpu.matmul %max3A_56, %get3A_59, %dot_general3A_60 {dimension_numbers = #tpu.dot_dimension_numbers<[1], [0], [0], [1], [0, 0, 1, 1], [], []>, transpose_lhs_hint = false} : vector<2048x384xf32>, vector<384x12xf32>, vector<2048x12xf32> -> vector<2048x12xf32>
    %get3A_62 = arith.constant 0 : index
    %get3A_63 = arith.constant 0 : index
    %get3A_64 = vector.load %arg7[%get3A_62, %get3A_63] : memref<1x12xf32, #tpu.memory_space<vmem>>, vector<1x12xf32>
    %add3A_65 = vector.broadcast %get3A_64 : vector<1x12xf32> to vector<2048x12xf32>
    %add3A_66 = arith.addf %dot_general3A_61, %add3A_65 : vector<2048x12xf32>
    %get3A_67 = arith.constant 0 : index
    %get3A_68 = arith.constant 0 : index
    %get3A_69 = vector.load %arg8[%get3A_67, %get3A_68] : memref<384x12xf32, #tpu.memory_space<vmem>>, vector<384x12xf32>
    %dot_general3A_70 = arith.constant dense<0.000000e+00> : vector<2048x12xf32>
    %dot_general3A_71 = tpu.matmul %max3A_56, %get3A_69, %dot_general3A_70 {dimension_numbers = #tpu.dot_dimension_numbers<[1], [0], [0], [1], [0, 0, 1, 1], [], []>, transpose_lhs_hint = false} : vector<2048x384xf32>, vector<384x12xf32>, vector<2048x12xf32> -> vector<2048x12xf32>
    %get3A_72 = arith.constant 0 : index
    %get3A_73 = arith.constant 0 : index
    %get3A_74 = vector.load %arg9[%get3A_72, %get3A_73] : memref<1x12xf32, #tpu.memory_space<vmem>>, vector<1x12xf32>
    %add3A_75 = vector.broadcast %get3A_74 : vector<1x12xf32> to vector<2048x12xf32>
    %add3A_76 = arith.addf %dot_general3A_71, %add3A_75 : vector<2048x12xf32>
    %max3A_77 = arith.constant 0.000000e+00 : f32
    %max3A_78 = vector.broadcast %max3A_77 : f32 to vector<2048x12xf32>
    %max3A_79 = arith.maximumf %add3A_76, %max3A_78 : vector<2048x12xf32>
    %abs3A = math.absf %add3A_76 : vector<2048x12xf32>
    %neg3A = arith.constant 0.000000e+00 : f32
    %neg3A_80 = vector.broadcast %neg3A : f32 to vector<2048x12xf32>
    %neg3A_81 = arith.subf %neg3A_80, %abs3A : vector<2048x12xf32>
    %exp3A = math.exp %neg3A_81 : vector<2048x12xf32>
    %log1p3A = math.log1p %exp3A : vector<2048x12xf32>
    %add3A_82 = arith.addf %max3A_79, %log1p3A : vector<2048x12xf32>
    %add3A_83 = arith.constant 9.99999997E-7 : f32
    %add3A_84 = vector.broadcast %add3A_83 : f32 to vector<2048x12xf32>
    %add3A_85 = arith.addf %add3A_82, %add3A_84 : vector<2048x12xf32>
    %slice3A_86 = vector.extract_strided_slice %add3A_66 {offsets = [0, 0], sizes = [512, 12], strides = [1, 1]} : vector<2048x12xf32> to vector<512x12xf32>
    %swap3A = arith.constant 0 : index
    %swap3A_87 = arith.constant 0 : index
    %swap3A_88 = arith.constant 0 : index
    %swap3A_89 = vector.load %arg10[%swap3A, %swap3A_87, %swap3A_88] : memref<4x512x12xf32, #tpu.memory_space<vmem>>, vector<1x512x12xf32>
    %swap3A_90 = vector.shape_cast %swap3A_89 : vector<1x512x12xf32> to vector<512x12xf32>
    %swap3A_91 = vector.shape_cast %slice3A_86 : vector<512x12xf32> to vector<1x512x12xf32>
    tpu.vector_store %arg10[%swap3A, %swap3A_87, %swap3A_88], %swap3A_91 {strides = array<i32>} : memref<4x512x12xf32, #tpu.memory_space<vmem>>, vector<1x512x12xf32>,
    %slice3A_92 = vector.extract_strided_slice %add3A_85 {offsets = [0, 0], sizes = [512, 12], strides = [1, 1]} : vector<2048x12xf32> to vector<512x12xf32>
    %swap3A_93 = arith.constant 0 : index
    %swap3A_94 = arith.constant 0 : index
    %swap3A_95 = arith.constant 0 : index
    %swap3A_96 = vector.load %arg11[%swap3A_93, %swap3A_94, %swap3A_95] : memref<4x512x12xf32, #tpu.memory_space<vmem>>, vector<1x512x12xf32>
    %swap3A_97 = vector.shape_cast %swap3A_96 : vector<1x512x12xf32> to vector<512x12xf32>
    %swap3A_98 = vector.shape_cast %slice3A_92 : vector<512x12xf32> to vector<1x512x12xf32>
    tpu.vector_store %arg11[%swap3A_93, %swap3A_94, %swap3A_95], %swap3A_98 {strides = array<i32>} : memref<4x512x12xf32, #tpu.memory_space<vmem>>, vector<1x512x12xf32>,
    %slice3A_99 = vector.extract_strided_slice %add3A_66 {offsets = [512, 0], sizes = [512, 12], strides = [1, 1]} : vector<2048x12xf32> to vector<512x12xf32>
    %swap3A_100 = arith.constant 1 : index
    %swap3A_101 = arith.constant 0 : index
    %swap3A_102 = arith.constant 0 : index
    %swap3A_103 = vector.load %arg10[%swap3A_100, %swap3A_101, %swap3A_102] : memref<4x512x12xf32, #tpu.memory_space<vmem>>, vector<1x512x12xf32>
    %swap3A_104 = vector.shape_cast %swap3A_103 : vector<1x512x12xf32> to vector<512x12xf32>
    %swap3A_105 = vector.shape_cast %slice3A_99 : vector<512x12xf32> to vector<1x512x12xf32>
    tpu.vector_store %arg10[%swap3A_100, %swap3A_101, %swap3A_102], %swap3A_105 {strides = array<i32>} : memref<4x512x12xf32, #tpu.memory_space<vmem>>, vector<1x512x12xf32>,
    %slice3A_106 = vector.extract_strided_slice %add3A_85 {offsets = [512, 0], sizes = [512, 12], strides = [1, 1]} : vector<2048x12xf32> to vector<512x12xf32>
    %swap3A_107 = arith.constant 1 : index
    %swap3A_108 = arith.constant 0 : index
    %swap3A_109 = arith.constant 0 : index
    %swap3A_110 = vector.load %arg11[%swap3A_107, %swap3A_108, %swap3A_109] : memref<4x512x12xf32, #tpu.memory_space<vmem>>, vector<1x512x12xf32>
    %swap3A_111 = vector.shape_cast %swap3A_110 : vector<1x512x12xf32> to vector<512x12xf32>
    %swap3A_112 = vector.shape_cast %slice3A_106 : vector<512x12xf32> to vector<1x512x12xf32>
    tpu.vector_store %arg11[%swap3A_107, %swap3A_108, %swap3A_109], %swap3A_112 {strides = array<i32>} : memref<4x512x12xf32, #tpu.memory_space<vmem>>, vector<1x512x12xf32>,
    %slice3A_113 = vector.extract_strided_slice %add3A_66 {offsets = [1024, 0], sizes = [512, 12], strides = [1, 1]} : vector<2048x12xf32> to vector<512x12xf32>
    %swap3A_114 = arith.constant 2 : index
    %swap3A_115 = arith.constant 0 : index
    %swap3A_116 = arith.constant 0 : index
    %swap3A_117 = vector.load %arg10[%swap3A_114, %swap3A_115, %swap3A_116] : memref<4x512x12xf32, #tpu.memory_space<vmem>>, vector<1x512x12xf32>
    %swap3A_118 = vector.shape_cast %swap3A_117 : vector<1x512x12xf32> to vector<512x12xf32>
    %swap3A_119 = vector.shape_cast %slice3A_113 : vector<512x12xf32> to vector<1x512x12xf32>
    tpu.vector_store %arg10[%swap3A_114, %swap3A_115, %swap3A_116], %swap3A_119 {strides = array<i32>} : memref<4x512x12xf32, #tpu.memory_space<vmem>>, vector<1x512x12xf32>,
    %slice3A_120 = vector.extract_strided_slice %add3A_85 {offsets = [1024, 0], sizes = [512, 12], strides = [1, 1]} : vector<2048x12xf32> to vector<512x12xf32>
    %swap3A_121 = arith.constant 2 : index
    %swap3A_122 = arith.constant 0 : index
    %swap3A_123 = arith.constant 0 : index
    %swap3A_124 = vector.load %arg11[%swap3A_121, %swap3A_122, %swap3A_123] : memref<4x512x12xf32, #tpu.memory_space<vmem>>, vector<1x512x12xf32>
    %swap3A_125 = vector.shape_cast %swap3A_124 : vector<1x512x12xf32> to vector<512x12xf32>
    %swap3A_126 = vector.shape_cast %slice3A_120 : vector<512x12xf32> to vector<1x512x12xf32>
    tpu.vector_store %arg11[%swap3A_121, %swap3A_122, %swap3A_123], %swap3A_126 {strides = array<i32>} : memref<4x512x12xf32, #tpu.memory_space<vmem>>, vector<1x512x12xf32>,
    %slice3A_127 = vector.extract_strided_slice %add3A_66 {offsets = [1536, 0], sizes = [512, 12], strides = [1, 1]} : vector<2048x12xf32> to vector<512x12xf32>
    %swap3A_128 = arith.constant 3 : index
    %swap3A_129 = arith.constant 0 : index
    %swap3A_130 = arith.constant 0 : index
    %swap3A_131 = vector.load %arg10[%swap3A_128, %swap3A_129, %swap3A_130] : memref<4x512x12xf32, #tpu.memory_space<vmem>>, vector<1x512x12xf32>
    %swap3A_132 = vector.shape_cast %swap3A_131 : vector<1x512x12xf32> to vector<512x12xf32>
    %swap3A_133 = vector.shape_cast %slice3A_127 : vector<512x12xf32> to vector<1x512x12xf32>
    tpu.vector_store %arg10[%swap3A_128, %swap3A_129, %swap3A_130], %swap3A_133 {strides = array<i32>} : memref<4x512x12xf32, #tpu.memory_space<vmem>>, vector<1x512x12xf32>,
    %slice3A_134 = vector.extract_strided_slice %add3A_85 {offsets = [1536, 0], sizes = [512, 12], strides = [1, 1]} : vector<2048x12xf32> to vector<512x12xf32>
    %swap3A_135 = arith.constant 3 : index
    %swap3A_136 = arith.constant 0 : index
    %swap3A_137 = arith.constant 0 : index
    %swap3A_138 = vector.load %arg11[%swap3A_135, %swap3A_136, %swap3A_137] : memref<4x512x12xf32, #tpu.memory_space<vmem>>, vector<1x512x12xf32>
    %swap3A_139 = vector.shape_cast %swap3A_138 : vector<1x512x12xf32> to vector<512x12xf32>
    %swap3A_140 = vector.shape_cast %slice3A_134 : vector<512x12xf32> to vector<1x512x12xf32>
    tpu.vector_store %arg11[%swap3A_135, %swap3A_136, %swap3A_137], %swap3A_140 {strides = array<i32>} : memref<4x512x12xf32, #tpu.memory_space<vmem>>, vector<1x512x12xf32>,
    return
  }
  func.func @transform_0(%arg0: i32) -> (i32, i32) {
    %c0_i32 = arith.constant 0 : i32
    %c0_i32_0 = arith.constant 0 : i32
    return %arg0, %c0_i32 : i32, i32
  }
  func.func @transform_1(%arg0: i32) -> (i32, i32) {
    %c0_i32 = arith.constant 0 : i32
    %c0_i32_0 = arith.constant 0 : i32
    %c0_i32_1 = arith.constant 0 : i32
    return %c0_i32, %c0_i32_0 : i32, i32
  }
  func.func @transform_2(%arg0: i32) -> (i32, i32, i32) {
    %c0_i32 = arith.constant 0 : i32
    %c0_i32_0 = arith.constant 0 : i32
    %c0_i32_1 = arith.constant 0 : i32
    return %c0_i32, %arg0, %c0_i32_0 : i32, i32, i32
  }
  func.func @transform_3(%arg0: i32) -> (i32, i32) {
    %c0_i32 = arith.constant 0 : i32
    %c0_i32_0 = arith.constant 0 : i32
    %c0_i32_1 = arith.constant 0 : i32
    return %c0_i32, %c0_i32_0 : i32, i32
  }
  func.func @transform_4(%arg0: i32) -> (i32, i32) {
    %c0_i32 = arith.constant 0 : i32
    %c0_i32_0 = arith.constant 0 : i32
    %c0_i32_1 = arith.constant 0 : i32
    return %c0_i32, %c0_i32_0 : i32, i32
  }
  func.func @transform_5(%arg0: i32) -> (i32, i32) {
    %c0_i32 = arith.constant 0 : i32
    %c0_i32_0 = arith.constant 0 : i32
    %c0_i32_1 = arith.constant 0 : i32
    return %c0_i32, %c0_i32_0 : i32, i32
  }
  func.func @transform_6(%arg0: i32) -> (i32, i32) {
    %c0_i32 = arith.constant 0 : i32
    %c0_i32_0 = arith.constant 0 : i32
    %c0_i32_1 = arith.constant 0 : i32
    return %c0_i32, %c0_i32_0 : i32, i32
  }
  func.func @transform_7(%arg0: i32) -> (i32, i32) {
    %c0_i32 = arith.constant 0 : i32
    %c0_i32_0 = arith.constant 0 : i32
    %c0_i32_1 = arith.constant 0 : i32
    return %c0_i32, %c0_i32_0 : i32, i32
  }
  func.func @transform_8(%arg0: i32) -> (i32, i32) {
    %c0_i32 = arith.constant 0 : i32
    %c0_i32_0 = arith.constant 0 : i32
    %c0_i32_1 = arith.constant 0 : i32
    return %c0_i32, %c0_i32_0 : i32, i32
  }
  func.func @transform_9(%arg0: i32) -> (i32, i32, i32) {
    %c0_i32 = arith.constant 0 : i32
    %c0_i32_0 = arith.constant 0 : i32
    %c0_i32_1 = arith.constant 0 : i32
    return %c0_i32, %arg0, %c0_i32_0 : i32, i32, i32
  }
  func.func @transform_10(%arg0: i32) -> (i32, i32, i32) {
    %c0_i32 = arith.constant 0 : i32
    %c0_i32_0 = arith.constant 0 : i32
    %c0_i32_1 = arith.constant 0 : i32
    return %c0_i32, %arg0, %c0_i32_0 : i32, i32, i32
  }
}

</mosaic_0001>

<sc_bundles>
// kernel: kernel.4.cloned.1.call-start
scs
__scs_entry_jumppad:
0x0: {  	(pc) =	sbr.rel $0x88, $3  }
0x1: {  	(tag) =	ssettag $0x0;
	lr =	simm.s32 $0x1  }
0x2: {  	[smem:$0x3F99] =	sst lr;
	_ =	strace $0xD0000000  }
0x3: {  	_ = 	snop  }
0x4: {  	_ = 	snop  }
0x5: {  	_ = 	snop  }
0x6: {  	_ = 	snop  }
0x7: {  	_ = 	snop  }
__scs_overlays_trampoline_lowered:
0x8: {  	[smem:$0x3FA8] =	sst s0  }
0x9: {  	[smem:$0x3FA9] =	sst s1  }
0xa: {  	[smem:$0x3FAA] =	sst s2  }
0xb: {  	[smem:$0x3FAB] =	sst s3  }
0xc: {  	[smem:$0x3FAC] =	sst s4  }
0xd: {  	[smem:$0x3FAD] =	sst s5  }
0xe: {  	[smem:$0x3FAE] =	sst s6  }
0xf: {  	[smem:$0x3FAF] =	sst s7  }
0x10: {  	[smem:$0x3FB0] =	sst s8  }
0x11: {  	[smem:$0x3FB1] =	sst s9;
	s0 =	simm.s32 @!p0 $0x0  }
0x12: {  	s1 =	sld [smem:$0x3F97];
	s0 =	simm.s32 @p0 $0x1  }
0x13: {  	[smem:$0x3FB2] =	sst s0;
	s0 =	simm.s32 @!p1 $0x0  }
0x14: {  	s2 =	sld [smem:$0x3F96];
	s0 =	simm.s32 @p1 $0x1  }
0x15: {  	[smem:$0x3FB3] =	sst s0;
	s0 =	simm.s32 @!p2 $0x0  }
0x16: {  	s3 =	sld [smem:$0x3FDB];
	s0 =	simm.s32 @p2 $0x1  }
0x17: {  	s4 =	simm.s32 $0x1BF5;
	[smem:$0x3FB5] =	sst s0  }
0x18: {  	s0 =	sld [smem:$0x3F98];
	_ =	swait.ge [sflag:s4], $0x0  }
0x19: {  	s7 =	sld [smem:$0x3F99]  }
0x1a: {  	s8 =	sadd.s32 $0xFFFFE003, lr  }
0x1b: {  	s9 =	sadd.s32 $0xFFFFFEF7, lr;
	s5 =	simm.s32 $0xFFFFFFFF;
	p2 =	slt.u32 s8, $0xFFFFF086  }
0x1c: {  	p1 =	slt.u32 s9, $0xF7A;
	s5 =	simm.s32 @!p2 $0x0  }
0x1d: {  	s5 =	simm.s32 @p1 $0x1;
	p0 =	seq.s32 s7, s2  }
0x1e: {  	s7 =	smul.u32 @!p0 $0xF7A, s2;
	p2 =	seq.s32 @!p0 s5, $0x0  }
0x1f: {  	s9 =	smul.u32 $0xF7A, s1;
	s8 =	simm.s32 @!p0 $0x1BF5;
	p2 =	por !p2, p0  }
0x20: {  	[sflag:s8] =	ssyncset.s32 @!p0 $0xFFFFF086;
	s6 =	sadd.s32 @!p0 s3, s7;
	s7 =	simm.s32 @!p0 $0x108  }
0x21: {  	s3 =	sadd.s32 s3, s9;
	s6 =	sadd.s32 @!p0 $0x88, s6;
	s7 =	simm.s32 @p2 $0x1082  }
0x22: {  	[simem:s7], [sflag:s8] =	dma.local @!p0 [hbm:s6], $0xF7A  }
0x23: {  	s9 =	sor.u32 $0xD0000000, s2;
	s6 =	simm.s32 $0x108;
	_ =	swait.ge @!p0 [sflag:s8], $0x0  }
0x24: {  	s3 =	sadd.s32 $0x88, s3;
	s6 =	simm.s32 @!p1 $0x1082;
	[sflag:s4] =	ssyncset.s32 $0xFFFFF086  }
0x25: {  	[simem:s6], [sflag:s4] =	dma.local [hbm:s3], $0xF7A  }
0x26: {  	[smem:$0x3F99] =	sst s1;
	(tag) =	ssettag s2;
	_ =	strace s9  }
0x27: {  	s1 =	sld [smem:$0x3FA9]  }
0x28: {  	s2 =	sld [smem:$0x3FAA]  }
0x29: {  	s4 =	sld [smem:$0x3FAC]  }
0x2a: {  	p0 =	seq.s32 s5, $0x0;
	s5 =	sld [smem:$0x3FAD]  }
0x2b: {  	s6 =	sld [smem:$0x3FAE]  }
0x2c: {  	s7 =	sld [smem:$0x3FAF]  }
0x2d: {  	s3 =	simm.s32 $0x108;
	s8 =	sld [smem:$0x3FB0]  }
0x2e: {  	s3 =	simm.s32 @!p0 $0x1082;
	s9 =	sld [smem:$0x3FB1]  }
0x2f: {  	lr =	sadd.s32 s0, s3;
	s0 =	sld [smem:$0x3FA8]  }
0x30: {  	s3 =	sld [smem:$0x3FAB]  }
0x31: {  	[smem:$0x3FB4] =	sst s10  }
0x32: {  	s10 =	sld [smem:$0x3FB2];
	_ =	sdelay $0x3  }
0x33: {  	p0 =	seq.s32 s10, $0x1;
	s10 =	sld [smem:$0x3FB4];
	_ =	sdelay $0x3  }
0x34: {  	[smem:$0x3FB4] =	sst s10  }
0x35: {  	s10 =	sld [smem:$0x3FB3];
	_ =	sdelay $0x3  }
0x36: {  	p1 =	seq.s32 s10, $0x1;
	s10 =	sld [smem:$0x3FB4];
	_ =	sdelay $0x3  }
0x37: {  	[smem:$0x3FB4] =	sst s10  }
0x38: {  	s10 =	sld [smem:$0x3FB5]  }
0x39: {  	_ = 	snop;
	(pc) =	sbr.ind lr, $3  }
0x3a: {  	_ = 	snop  }
0x3b: {  	_ = 	snop  }
0x3c: {  	p2 =	seq.s32 s10, $0x1;
	s10 =	sld [smem:$0x3FB4]  }
0x3d: {  	_ =	shalt  }
0x3e: {  	_ =	shalt  }
0x3f: {  	_ =	shalt  }
0x40: {  	_ =	shalt  }
0x41: {  	_ =	shalt  }
0x42: {  	_ =	shalt  }
0x43: {  	_ =	shalt  }
0x44: {  	_ =	shalt  }
0x45: {  	_ =	shalt  }
0x46: {  	_ =	shalt  }
0x47: {  	_ =	shalt  }
0x48: {  	_ =	shalt  }
0x49: {  	_ =	shalt  }
0x4a: {  	_ =	shalt  }
0x4b: {  	_ =	shalt  }
0x4c: {  	_ =	shalt  }
0x4d: {  	_ =	shalt  }
0x4e: {  	_ =	shalt  }
0x4f: {  	_ =	shalt  }
0x50: {  	_ =	shalt  }
0x51: {  	_ =	shalt  }
0x52: {  	_ =	shalt  }
0x53: {  	_ =	shalt  }
0x54: {  	_ =	shalt  }
0x55: {  	_ =	shalt  }
0x56: {  	_ =	shalt  }
0x57: {  	_ =	shalt  }
0x58: {  	_ =	shalt  }
0x59: {  	_ =	shalt  }
0x5a: {  	_ =	shalt  }
0x5b: {  	_ =	shalt  }
0x5c: {  	_ =	shalt  }
0x5d: {  	_ =	shalt  }
0x5e: {  	_ =	shalt  }
0x5f: {  	_ =	shalt  }
0x60: {  	_ =	shalt  }
0x61: {  	_ =	shalt  }
0x62: {  	_ =	shalt  }
0x63: {  	_ =	shalt  }
0x64: {  	_ =	shalt  }
0x65: {  	_ =	shalt  }
0x66: {  	_ =	shalt  }
0x67: {  	_ =	shalt  }
0x68: {  	_ =	shalt  }
0x69: {  	_ =	shalt  }
0x6a: {  	_ =	shalt  }
0x6b: {  	_ =	shalt  }
0x6c: {  	_ =	shalt  }
0x6d: {  	_ =	shalt  }
0x6e: {  	_ =	shalt  }
0x6f: {  	_ =	shalt  }
0x70: {  	_ =	shalt  }
0x71: {  	_ =	shalt  }
0x72: {  	_ =	shalt  }
0x73: {  	_ =	shalt  }
0x74: {  	_ =	shalt  }
0x75: {  	_ =	shalt  }
0x76: {  	_ =	shalt  }
0x77: {  	_ =	shalt  }
0x78: {  	_ =	shalt  }
0x79: {  	_ =	shalt  }
0x7a: {  	_ =	shalt  }
0x7b: {  	_ =	shalt  }
0x7c: {  	_ =	shalt  }
0x7d: {  	_ =	shalt  }
0x7e: {  	_ =	shalt  }
0x7f: {  	_ =	shalt  }
0x80: {  	_ =	shalt  }
0x81: {  	_ =	shalt  }
0x82: {  	_ =	shalt  }
0x83: {  	_ =	shalt  }
0x84: {  	_ =	shalt  }
0x85: {  	_ =	shalt  }
0x86: {  	_ =	shalt  }
0x87: {  	_ =	shalt  }
.Lfunc_end0:
.L_simem_size_0:
called_computation_lowered:
.L_overlay_start_0:
0x88: {  	s2 =	sld [smem:$0x3FD9]  }
0x89: {  	s3 =	sld [smem:$0x3FFE];
	_ =	sdelay $0x1  }
0x8a: {  	s1 =	srdreg.scid  }
0x8b: {  	s0 =	sand.u32 $0x1, s1  }
0x8c: {  	s14 =	sshll.u32 s0, $0xA;
	s2 =	sadd.s32 s3, s2  }
0x8d: {  	s2 =	sadd.s32 s2, s14  }
0x8e: {  	[smem:$0x3FC0] =	sst s2  }
0x8f: {  	_ = 	snop  }
0x90: {  	s2 =	sld [smem:$0x3FD0];
	_ =	sdelay $0x2  }
0x91: {  	s15 =	simm.s32 $0xA;
	s4 =	simm.s32 $0x10  }
0x92: {  	[smem:s4], [sflag:s15] =	dma.local [hbm:s2], $0x1  }
0x93: {  	_ =	swait.eq [sflag:s15], $0x1  }
0x94: {  	[sflag:s15] =	ssyncset.done $0x0  }
0x95: {  	s16 =	sld [smem:$0x10];
	[sflag:s15] =	ssyncadd.s32 $0xFFFFFFFF  }
0x96: {  	s17 =	sld [smem:$0x11];
	(tm) =	ssettm $0x1  }
0x97: {  	s18 =	sld [smem:$0x3FFB];
	_ =	sdelay $0x3  }
0x98: {  	_ =	strace s18  }
0x99: {  	s4 =	sld [smem:$0x3FFC];
	_ =	sdelay $0x3  }
0x9a: {  	_ =	strace s4  }
0x9b: {  	s4 =	sld [smem:$0x3FFD];
	_ =	sdelay $0x3  }
0x9c: {  	_ =	strace s4  }
0x9d: {  	_ =	strace $0x8FFFFFFF  }
0x9e: {  	s19 =	sld [smem:$0x3FDB];
	_ =	sdelay $0x1  }
0x9f: {  	s5 =	simm.s32 $_scs_section_size  }
0xa0: {  	s6 =	simm.s32 $_size__tile_overlayer_lowered;
	s7 =	simm.s32 $_tile_overlayer_lowered  }
0xa1: {  	s22 =	simm.s32 $0x1BFF;
	s21 =	sshll.u32 s7, $0x1;
	s4 =	sadd.s32 s5, s19  }
0xa2: {  	s8 =	simm.s32 $0x0;
	s20 =	sshll.u32 s6, $0x1;
	s6 =	sadd.s32 s21, s4  }
0xa3: {  	[timem:s8], [sflag:s22] =	dma.local [hbm:s6], s20  }
0xa4: {  	_ =	swait.ge [sflag:s22], s20  }
0xa5: {  	s5 =	ssub.s32 $0x0, s20;
	[sflag:s22] =	ssyncset.done $0x0  }
0xa6: {  	[sflag:s22] =	ssyncadd.s32 s5;
	_ =	sdelay $0x1  }
0xa7: {  	s23 =	simm.s32 $0x1B8B  }
0xa8: {  	_ =	swait.ge [sflag:s23], $0x1  }
0xa9: {  	[sflag:s23] =	ssyncset.done $0x0  }
0xaa: {  	s25 =	simm.s32 $0x1B8E;
	s24 =	sld [smem:$0x3FFE];
	[sflag:s23] =	ssyncadd.s32 $0xFFFFFFFF  }
0xab: {  	s26 =	simm.s32 $execute0_lowered;
	[smem:$0x3FD2] =	sst s25  }
0xac: {  	s6 =	sshll.u32 s26, $0x1;
	_ =	strace $0x80000046;
	[dreg:$0x1] =	wrdreg $0xFFFFFFFF  }
0xad: {  	s28 =	simm.s32 $_size_execute0_lowered;
	s4 =	sadd.s32 s4, s6;
	[dreg:$0x0] =	wrdreg $0x0  }
0xae: {  	s6 =	sshll.u32 s28, $0x1;
	[dreg:$0x2] =	wrdreg s4  }
0xaf: {  	[dreg:$0x3] =	wrdreg s6  }
0xb0: {  	[dreg:$0x4] =	wrdreg $0xC0  }
0xb1: {  	_ =	task [dreg:s8], $0x5FFFF  }
0xb2: {  	[dreg:$0x1] =	wrdreg $0xFFFFFFFF  }
0xb3: {  	[dreg:$0x0] =	wrdreg $0x60  }
0xb4: {  	[dreg:$0x2] =	wrdreg s24  }
0xb5: {  	[dreg:$0x3] =	wrdreg s17  }
0xb6: {  	[dreg:$0x4] =	wrdreg s16  }
0xb7: {  	[dreg:$0x5] =	wrdreg $0x9  }
0xb8: {  	_ =	task.clear_ibuf [dreg:s8], $0x6FFFF;
	_ =	strace $0x90000046  }
0xb9: {  	s29 =	simm.s32 $0x9;
	_ =	strace $0x80000048  }
0xba: {  	_ =	swait.ge [sflag:s29], $0x1  }
0xbb: {  	[sflag:s29] =	ssyncadd.s32 $0xFFFFFFFF  }
0xbc: {  	_ =	strace $0x90000048  }
0xbd: {  	_ =	sfence  }
0xbe: {  	s30 =	sld [smem:$0x0];
	_ =	sdelay $0x2  }
0xbf: {  	s31 =	sshll.u32 s1, $0xD;
	s1 =	sshrl.u32 s1, $0x2  }
0xc0: {  	s3 =	sand.u32 $0x4000, s31;
	s1 =	sadd.s32 s1, s30  }
0xc1: {  	s0 =	sor.u32 s3, s0;
	s1 =	sshll.u32 s1, $0x11  }
0xc2: {  	s0 =	sor.u32 s1, s0  }
0xc3: {  	s0 =	sadd.s32 $0x8F2B, s0  }
0xc4: {  	[sflag:s0] =	ssyncadd.remote.s32 $0x1  }
0xc5: {  	_ =	sfence.sel $0xFFFF  }
0xc6: {  	[dreg:$0x0] =	wrdreg $0xFFFFFFFF;
	(pc) =	sbr.abs _section_cstart, $3  }
0xc7: {  	[dreg:$0x1] =	wrdreg $0xFFFFFFFF  }
0xc8: {  	_ =	task.clear_ibuf [dreg:s8], $0x2FFFF;
	_ =	strace $0x9FFFFFFF  }
0xc9: {  	(tm) =	ssettm $0x7FFFFFFF  }
tec
execute0_lowered:
.L_overlay_start_1:
0x0: {  	(tag) =	ssettag $0x1  }
0x1: {  	s9 =	rddreg [dreg:$0x0]  }
0x2: {  	s1 =	rddreg [dreg:$0x1]  }
0x3: {  	s2 =	rddreg [dreg:$0x2]  }
0x4: {  	s0 =	rddreg [dreg:$0x3]  }
0x5: {  	s3 =	simm.s32 $0x0;
	s4 =	srdreg.scid;
	s13 =	simm.s32 $0x14400  }
0x6: {  	s14 =	simm.s32 $0x14480;
	s15 =	simm.s32 $0x14000;
	s16 =	simm.s32 $0x14200  }
0x7: {  	s17 =	simm.s32 $0x0;
	[smem:$0x7FF] =	sst s3;
	s7 =	sand.u32 $0x1, s4  }
.Ltmp0:
0x8: {  	s5 =	sadd.s32 $0x1400, s9;
	s6 =	sadd.s32 $0x2E00, s9;
	(pc) =	sbr.rel .LBB2_1-.Ltmp0, $4  }
0x9: {  	s4 =	stileid.u32;
	_ =	strace $0x80000047;
	s8 =	ssub.s32 $0x2, s7  }
0xa: {  	s11 =	sshll.u32 s7, $0x4;
	s7 =	sadd.s32 $0x4800, s9;
	s10 =	sshrl.u32 s8, $0x1  }
0xb: {  	s9 =	sadd.s32 $0x6800, s9;
	s12 =	ssub.s32 s8, s10;
	s8 =	sor.u32 s4, s11  }
0xc: {  	v0 =	vimm.f32 $1.000000000e+00;
	s10 =	sshll.u32 s8, $0x8;
	s11 =	smax.u32 s12, $0x1;
	s12 =	simm.s32 $0x1  }
.LBB2_6:
0xd: {  	s17 =	sadd.s32 $0x1, s17  }
0xe: {  	p0 =	sne.s32 s17, s11  }
.Ltmp1:
0xf: {  	_ = 	snop;
	(pc) =	sbr.rel @!p0 .LBB2_7-.Ltmp1, $1  }
0x10: {  	_ =	sdelay $0x3  }
.LBB2_1:
.Ltmp2:
0x11: {  	(pc) =	sbr.rel .LBB2_2-.Ltmp2, $2  }
0x12: {  	_ =	sdelay $0x2  }
0x13: {  	s18 =	simm.s32 $0x0  }
.LBB2_5:
0x14: {  	s18 =	sadd.s32 $0x1, s18  }
0x15: {  	s19 =	sshll.u32 s20, $0xD;
	p0 =	sne.s32 s18, $0xA  }
.Ltmp3:
0x16: {  	s19 =	sadd.s32 s9, s19;
	(pc) =	sbr.rel @!p0 .LBB2_6-.Ltmp3, $4  }
0x17: {  	[hbm4b:s19+s3] =	stream.linear.scatter [tilespmem:s3], [sflag:$0x1], $0x10000, $0x38;
	[tilespmem:$0x14500] =	vst v63  }
0x18: {  	_ =	swait.ge [sflag:s12], $0x10000  }
0x19: {  	[sflag:s12] =	ssyncset.done $0x0  }
0x1a: {  	[sflag:s12] =	ssyncadd.s32 $0xFFFF0000  }
.LBB2_2:
0x1b: {  	[tilespmem:s3], [sflag:$0x1] =	stream.linear.gather [hbm4b:s7+s3], $0x10000, $0x38;
	[tilespmem:$0x14500] =	vst v63  }
0x1c: {  	s19 =	sshll.u32 s18, $0x4;
	_ =	swait.ge [sflag:s12], $0x10000  }
0x1d: {  	s19 =	sadd.s32 s10, s19;
	[sflag:s12] =	ssyncset.done $0x0  }
0x1e: {  	s20 =	sadd.s32 s1, s19;
	[sflag:s12] =	ssyncadd.s32 $0xFFFF0000  }
0x1f: {  	[tilespmem:s13], [sflag:$0x1] =	stream.linear.gather [hbm4b:s20+s3], $0x80, $0x38;
	[tilespmem:$0x14500] =	vst v63  }
0x20: {  	_ =	swait.ge [sflag:s12], $0x80  }
0x21: {  	[sflag:s12] =	ssyncset.done $0x0  }
0x22: {  	s19 =	sadd.s32 s2, s19;
	[sflag:s12] =	ssyncadd.s32 $0xFFFFFF80  }
0x23: {  	[tilespmem:s14], [sflag:$0x1] =	stream.linear.gather [hbm4b:s19+s3], $0x80, $0x38;
	[tilespmem:$0x14500] =	vst v63  }
0x24: {  	_ =	swait.ge [sflag:s12], $0x80  }
0x25: {  	[sflag:s12] =	ssyncset.done $0x0  }
0x26: {  	[sflag:s12] =	ssyncadd.s32 $0xFFFFFF80  }
0x27: {  	v1 =	vld [tilespmem:$0x14400]  }
0x28: {  	v2 =	vld [tilespmem:$0x14480];
	_ =	sdelay $0x3  }
0x29: {  	v1 =	vxor.u32 $0x80000000, v1  }
0x2a: {  	(xrf0) =	vmax.scan.msk.u32 $0xffff, v1;
	v1 =	vxor.u32 $0x80000000, v2  }
0x2b: {  	(xrf0) =	vmax.scan.msk.u32 $0xffff, v1;
	_ =	sdelay $0x4  }
0x2c: {  	v1, _, _ =	vpop (xrf0)  }
0x2d: {  	(v2sf) =	vpush v1, $0xF;
	v1, _, _ =	vpop (xrf0)  }
0x2e: {  	(v2sf) =	vpush v1, $0xF;
	_ =	sdelay $0xd  }
0x2f: {  	s21 =	spop (v2sf)  }
0x30: {  	s30 =	spop (v2sf)  }
0x31: {  	s19 =	sxor.u32 $0x80000000, s30  }
0x32: {  	p0 =	slt.s32 s19, $0x1  }
.Ltmp4:
0x33: {  	_ = 	snop;
	(pc) =	sbr.rel @p0 .LBB2_5-.Ltmp4, $3  }
0x34: {  	_ =	sdelay $0x1  }
0x35: {  	s31 =	sshll.u32 s18, $0x5  }
0x36: {  	s20 =	sor.u32 s8, s31  }
0x37: {  	s22 =	sshll.u32 s20, $0x5  }
0x38: {  	s21 =	sxor.u32 $0x80000000, s21;
	v1 =	vmov s22  }
.LBB2_4:
0x39: {  	s22 =	sshrl.u32 s21, $0x3  }
0x3a: {  	s23 =	sadd.s32 s5, s22  }
0x3b: {  	[tilespmem:s15], [sflag:$0x1] =	stream.linear.gather [hbm4b:s23+s3], $0x200, $0x38;
	[tilespmem:$0x14500] =	vst v63  }
0x3c: {  	_ =	swait.ge [sflag:s12], $0x200  }
0x3d: {  	[sflag:s12] =	ssyncset.done $0x0  }
0x3e: {  	s22 =	sadd.s32 s6, s22;
	[sflag:s12] =	ssyncadd.s32 $0xFFFFFE00  }
0x3f: {  	[tilespmem:s16], [sflag:$0x1] =	stream.linear.gather [hbm4b:s22+s3], $0x200, $0x38;
	[tilespmem:$0x14500] =	vst v63  }
0x40: {  	_ =	swait.ge [sflag:s12], $0x200  }
0x41: {  	[sflag:s12] =	ssyncset.done $0x0  }
0x42: {  	[sflag:s12] =	ssyncadd.s32 $0xFFFFFE00  }
0x43: {  	v2 =	vld [tilespmem:$0x14000];
	_ =	sdelay $0x1  }
0x44: {  	v3 =	vld [tilespmem:$0x14200];
	_ =	sdelay $0x2  }
0x45: {  	v2 =	vsub.s32 v2, v1  }
0x46: {  	v4 =	vshll.u32 v2, $0xB  }
0x47: {  	vm0 =	vgt.u32 v2, $0x1F;
	v2 =	vadd.s32 v3, v4  }
0x48: {  	v2 =	vsel vm0, $0x10000, v2;
	_ =	sdelay $0x4  }
0x49: {  	[tilespmem:v2+s3+$0x0] =	vst.idx.add.f32.msk $0xffff, v0  }
0x4a: {  	v2 =	vld [tilespmem:$0x14010];
	_ =	sdelay $0x1  }
0x4b: {  	v3 =	vld [tilespmem:$0x14210];
	_ =	sdelay $0x2  }
0x4c: {  	v2 =	vsub.s32 v2, v1  }
0x4d: {  	v33 =	vshll.u32 v2, $0xB  }
0x4e: {  	vm9 =	vgt.u32 v2, $0x1F;
	v2 =	vadd.s32 v3, v33  }
0x4f: {  	v2 =	vsel vm9, $0x10000, v2;
	_ =	sdelay $0x4  }
0x50: {  	[tilespmem:v2+s3+$0x0] =	vst.idx.add.f32.msk $0xffff, v0  }
0x51: {  	v2 =	vld [tilespmem:$0x14020];
	_ =	sdelay $0x1  }
0x52: {  	v3 =	vld [tilespmem:$0x14220];
	_ =	sdelay $0x2  }
0x53: {  	v2 =	vsub.s32 v2, v1  }
0x54: {  	v34 =	vshll.u32 v2, $0xB  }
0x55: {  	vm10 =	vgt.u32 v2, $0x1F;
	v2 =	vadd.s32 v3, v34  }
0x56: {  	v2 =	vsel vm10, $0x10000, v2;
	_ =	sdelay $0x4  }
0x57: {  	[tilespmem:v2+s3+$0x0] =	vst.idx.add.f32.msk $0xffff, v0  }
0x58: {  	v2 =	vld [tilespmem:$0x14030];
	_ =	sdelay $0x1  }
0x59: {  	v3 =	vld [tilespmem:$0x14230];
	_ =	sdelay $0x2  }
0x5a: {  	v2 =	vsub.s32 v2, v1  }
0x5b: {  	v35 =	vshll.u32 v2, $0xB  }
0x5c: {  	vm11 =	vgt.u32 v2, $0x1F;
	v2 =	vadd.s32 v3, v35  }
0x5d: {  	v2 =	vsel vm11, $0x10000, v2;
	_ =	sdelay $0x4  }
0x5e: {  	[tilespmem:v2+s3+$0x0] =	vst.idx.add.f32.msk $0xffff, v0  }
0x5f: {  	v2 =	vld [tilespmem:$0x14040];
	_ =	sdelay $0x1  }
0x60: {  	v3 =	vld [tilespmem:$0x14240];
	_ =	sdelay $0x2  }
0x61: {  	v2 =	vsub.s32 v2, v1  }
0x62: {  	v36 =	vshll.u32 v2, $0xB  }
0x63: {  	vm12 =	vgt.u32 v2, $0x1F;
	v2 =	vadd.s32 v3, v36  }
0x64: {  	v2 =	vsel vm12, $0x10000, v2;
	_ =	sdelay $0x4  }
0x65: {  	[tilespmem:v2+s3+$0x0] =	vst.idx.add.f32.msk $0xffff, v0  }
0x66: {  	v2 =	vld [tilespmem:$0x14050];
	_ =	sdelay $0x1  }
0x67: {  	v3 =	vld [tilespmem:$0x14250];
	_ =	sdelay $0x2  }
0x68: {  	v2 =	vsub.s32 v2, v1  }
0x69: {  	v37 =	vshll.u32 v2, $0xB  }
0x6a: {  	vm13 =	vgt.u32 v2, $0x1F;
	v2 =	vadd.s32 v3, v37  }
0x6b: {  	v2 =	vsel vm13, $0x10000, v2;
	_ =	sdelay $0x4  }
0x6c: {  	[tilespmem:v2+s3+$0x0] =	vst.idx.add.f32.msk $0xffff, v0  }
0x6d: {  	v2 =	vld [tilespmem:$0x14060];
	_ =	sdelay $0x1  }
0x6e: {  	v3 =	vld [tilespmem:$0x14260];
	_ =	sdelay $0x2  }
0x6f: {  	v2 =	vsub.s32 v2, v1  }
0x70: {  	v38 =	vshll.u32 v2, $0xB  }
0x71: {  	vm14 =	vgt.u32 v2, $0x1F;
	v2 =	vadd.s32 v3, v38  }
0x72: {  	v2 =	vsel vm14, $0x10000, v2;
	_ =	sdelay $0x4  }
0x73: {  	[tilespmem:v2+s3+$0x0] =	vst.idx.add.f32.msk $0xffff, v0  }
0x74: {  	v2 =	vld [tilespmem:$0x14070];
	_ =	sdelay $0x1  }
0x75: {  	v3 =	vld [tilespmem:$0x14270];
	_ =	sdelay $0x2  }
0x76: {  	v2 =	vsub.s32 v2, v1  }
0x77: {  	v39 =	vshll.u32 v2, $0xB  }
0x78: {  	vm15 =	vgt.u32 v2, $0x1F;
	v2 =	vadd.s32 v3, v39  }
0x79: {  	v2 =	vsel vm15, $0x10000, v2;
	_ =	sdelay $0x4  }
0x7a: {  	[tilespmem:v2+s3+$0x0] =	vst.idx.add.f32.msk $0xffff, v0  }
0x7b: {  	v2 =	vld [tilespmem:$0x14080];
	_ =	sdelay $0x1  }
0x7c: {  	v3 =	vld [tilespmem:$0x14280];
	_ =	sdelay $0x2  }
0x7d: {  	v2 =	vsub.s32 v2, v1  }
0x7e: {  	v40 =	vshll.u32 v2, $0xB  }
0x7f: {  	vm4 =	vgt.u32 v2, $0x1F;
	v2 =	vadd.s32 v3, v40  }
0x80: {  	v2 =	vsel vm4, $0x10000, v2;
	_ =	sdelay $0x4  }
0x81: {  	[tilespmem:v2+s3+$0x0] =	vst.idx.add.f32.msk $0xffff, v0  }
0x82: {  	v2 =	vld [tilespmem:$0x14090];
	_ =	sdelay $0x1  }
0x83: {  	v3 =	vld [tilespmem:$0x14290];
	_ =	sdelay $0x2  }
0x84: {  	v2 =	vsub.s32 v2, v1  }
0x85: {  	v41 =	vshll.u32 v2, $0xB  }
0x86: {  	vm5 =	vgt.u32 v2, $0x1F;
	v2 =	vadd.s32 v3, v41  }
0x87: {  	v2 =	vsel vm5, $0x10000, v2;
	_ =	sdelay $0x4  }
0x88: {  	[tilespmem:v2+s3+$0x0] =	vst.idx.add.f32.msk $0xffff, v0  }
0x89: {  	v2 =	vld [tilespmem:$0x140A0];
	_ =	sdelay $0x1  }
0x8a: {  	v3 =	vld [tilespmem:$0x142A0];
	_ =	sdelay $0x2  }
0x8b: {  	v2 =	vsub.s32 v2, v1  }
0x8c: {  	v42 =	vshll.u32 v2, $0xB  }
0x8d: {  	vm6 =	vgt.u32 v2, $0x1F;
	v2 =	vadd.s32 v3, v42  }
0x8e: {  	v2 =	vsel vm6, $0x10000, v2;
	_ =	sdelay $0x4  }
0x8f: {  	[tilespmem:v2+s3+$0x0] =	vst.idx.add.f32.msk $0xffff, v0  }
0x90: {  	v2 =	vld [tilespmem:$0x140B0];
	_ =	sdelay $0x1  }
0x91: {  	v3 =	vld [tilespmem:$0x142B0];
	_ =	sdelay $0x2  }
0x92: {  	v2 =	vsub.s32 v2, v1  }
0x93: {  	v43 =	vshll.u32 v2, $0xB  }
0x94: {  	vm7 =	vgt.u32 v2, $0x1F;
	v2 =	vadd.s32 v3, v43  }
0x95: {  	v2 =	vsel vm7, $0x10000, v2;
	_ =	sdelay $0x4  }
0x96: {  	[tilespmem:v2+s3+$0x0] =	vst.idx.add.f32.msk $0xffff, v0  }
0x97: {  	v2 =	vld [tilespmem:$0x140C0];
	_ =	sdelay $0x1  }
0x98: {  	v3 =	vld [tilespmem:$0x142C0];
	_ =	sdelay $0x2  }
0x99: {  	v2 =	vsub.s32 v2, v1  }
0x9a: {  	v44 =	vshll.u32 v2, $0xB  }
0x9b: {  	vm8 =	vgt.u32 v2, $0x1F;
	v2 =	vadd.s32 v3, v44  }
0x9c: {  	v2 =	vsel vm8, $0x10000, v2;
	_ =	sdelay $0x4  }
0x9d: {  	[tilespmem:v2+s3+$0x0] =	vst.idx.add.f32.msk $0xffff, v0  }
0x9e: {  	v2 =	vld [tilespmem:$0x140D0];
	_ =	sdelay $0x1  }
0x9f: {  	v3 =	vld [tilespmem:$0x142D0];
	_ =	sdelay $0x2  }
0xa0: {  	v2 =	vsub.s32 v2, v1  }
0xa1: {  	v45 =	vshll.u32 v2, $0xB  }
0xa2: {  	vm9 =	vgt.u32 v2, $0x1F;
	v2 =	vadd.s32 v3, v45  }
0xa3: {  	v2 =	vsel vm9, $0x10000, v2;
	_ =	sdelay $0x4  }
0xa4: {  	[tilespmem:v2+s3+$0x0] =	vst.idx.add.f32.msk $0xffff, v0  }
0xa5: {  	v2 =	vld [tilespmem:$0x140E0];
	_ =	sdelay $0x1  }
0xa6: {  	v3 =	vld [tilespmem:$0x142E0];
	_ =	sdelay $0x2  }
0xa7: {  	v2 =	vsub.s32 v2, v1  }
0xa8: {  	v46 =	vshll.u32 v2, $0xB  }
0xa9: {  	vm10 =	vgt.u32 v2, $0x1F;
	v2 =	vadd.s32 v3, v46  }
0xaa: {  	v2 =	vsel vm10, $0x10000, v2;
	_ =	sdelay $0x4  }
0xab: {  	[tilespmem:v2+s3+$0x0] =	vst.idx.add.f32.msk $0xffff, v0  }
0xac: {  	v2 =	vld [tilespmem:$0x140F0];
	_ =	sdelay $0x1  }
0xad: {  	v3 =	vld [tilespmem:$0x142F0];
	_ =	sdelay $0x2  }
0xae: {  	v2 =	vsub.s32 v2, v1  }
0xaf: {  	v47 =	vshll.u32 v2, $0xB  }
0xb0: {  	vm11 =	vgt.u32 v2, $0x1F;
	v2 =	vadd.s32 v3, v47  }
0xb1: {  	v2 =	vsel vm11, $0x10000, v2;
	_ =	sdelay $0x4  }
0xb2: {  	[tilespmem:v2+s3+$0x0] =	vst.idx.add.f32.msk $0xffff, v0  }
0xb3: {  	v2 =	vld [tilespmem:$0x14100];
	_ =	sdelay $0x1  }
0xb4: {  	v3 =	vld [tilespmem:$0x14300];
	_ =	sdelay $0x2  }
0xb5: {  	v2 =	vsub.s32 v2, v1  }
0xb6: {  	v48 =	vshll.u32 v2, $0xB  }
0xb7: {  	vm12 =	vgt.u32 v2, $0x1F;
	v2 =	vadd.s32 v3, v48  }
0xb8: {  	v2 =	vsel vm12, $0x10000, v2;
	_ =	sdelay $0x4  }
0xb9: {  	[tilespmem:v2+s3+$0x0] =	vst.idx.add.f32.msk $0xffff, v0  }
0xba: {  	v2 =	vld [tilespmem:$0x14110];
	_ =	sdelay $0x1  }
0xbb: {  	v3 =	vld [tilespmem:$0x14310];
	_ =	sdelay $0x2  }
0xbc: {  	v2 =	vsub.s32 v2, v1  }
0xbd: {  	v49 =	vshll.u32 v2, $0xB  }
0xbe: {  	vm13 =	vgt.u32 v2, $0x1F;
	v2 =	vadd.s32 v3, v49  }
0xbf: {  	v2 =	vsel vm13, $0x10000, v2;
	_ =	sdelay $0x4  }
0xc0: {  	[tilespmem:v2+s3+$0x0] =	vst.idx.add.f32.msk $0xffff, v0  }
0xc1: {  	v2 =	vld [tilespmem:$0x14120];
	_ =	sdelay $0x1  }
0xc2: {  	v3 =	vld [tilespmem:$0x14320];
	_ =	sdelay $0x2  }
0xc3: {  	v2 =	vsub.s32 v2, v1  }
0xc4: {  	v50 =	vshll.u32 v2, $0xB  }
0xc5: {  	vm14 =	vgt.u32 v2, $0x1F;
	v2 =	vadd.s32 v3, v50  }
0xc6: {  	v2 =	vsel vm14, $0x10000, v2;
	_ =	sdelay $0x4  }
0xc7: {  	[tilespmem:v2+s3+$0x0] =	vst.idx.add.f32.msk $0xffff, v0  }
0xc8: {  	v2 =	vld [tilespmem:$0x14130];
	_ =	sdelay $0x1  }
0xc9: {  	v3 =	vld [tilespmem:$0x14330];
	_ =	sdelay $0x2  }
0xca: {  	v2 =	vsub.s32 v2, v1  }
0xcb: {  	v51 =	vshll.u32 v2, $0xB  }
0xcc: {  	vm15 =	vgt.u32 v2, $0x1F;
	v2 =	vadd.s32 v3, v51  }
0xcd: {  	v2 =	vsel vm15, $0x10000, v2;
	_ =	sdelay $0x4  }
0xce: {  	[tilespmem:v2+s3+$0x0] =	vst.idx.add.f32.msk $0xffff, v0  }
0xcf: {  	v2 =	vld [tilespmem:$0x14140];
	_ =	sdelay $0x1  }
0xd0: {  	v3 =	vld [tilespmem:$0x14340];
	_ =	sdelay $0x2  }
0xd1: {  	v2 =	vsub.s32 v2, v1  }
0xd2: {  	v52 =	vshll.u32 v2, $0xB  }
0xd3: {  	vm4 =	vgt.u32 v2, $0x1F;
	v2 =	vadd.s32 v3, v52  }
0xd4: {  	v2 =	vsel vm4, $0x10000, v2;
	_ =	sdelay $0x4  }
0xd5: {  	[tilespmem:v2+s3+$0x0] =	vst.idx.add.f32.msk $0xffff, v0  }
0xd6: {  	v2 =	vld [tilespmem:$0x14150];
	_ =	sdelay $0x1  }
0xd7: {  	v3 =	vld [tilespmem:$0x14350];
	_ =	sdelay $0x2  }
0xd8: {  	v2 =	vsub.s32 v2, v1  }
0xd9: {  	v53 =	vshll.u32 v2, $0xB  }
0xda: {  	vm5 =	vgt.u32 v2, $0x1F;
	v2 =	vadd.s32 v3, v53  }
0xdb: {  	v2 =	vsel vm5, $0x10000, v2;
	_ =	sdelay $0x4  }
0xdc: {  	[tilespmem:v2+s3+$0x0] =	vst.idx.add.f32.msk $0xffff, v0  }
0xdd: {  	v2 =	vld [tilespmem:$0x14160];
	_ =	sdelay $0x1  }
0xde: {  	v3 =	vld [tilespmem:$0x14360];
	_ =	sdelay $0x2  }
0xdf: {  	v2 =	vsub.s32 v2, v1  }
0xe0: {  	v54 =	vshll.u32 v2, $0xB  }
0xe1: {  	vm6 =	vgt.u32 v2, $0x1F;
	v2 =	vadd.s32 v3, v54  }
0xe2: {  	v2 =	vsel vm6, $0x10000, v2;
	_ =	sdelay $0x4  }
0xe3: {  	[tilespmem:v2+s3+$0x0] =	vst.idx.add.f32.msk $0xffff, v0  }
0xe4: {  	v2 =	vld [tilespmem:$0x14170];
	_ =	sdelay $0x1  }
0xe5: {  	v3 =	vld [tilespmem:$0x14370];
	_ =	sdelay $0x2  }
0xe6: {  	v2 =	vsub.s32 v2, v1  }
0xe7: {  	v55 =	vshll.u32 v2, $0xB  }
0xe8: {  	vm7 =	vgt.u32 v2, $0x1F;
	v2 =	vadd.s32 v3, v55  }
0xe9: {  	v2 =	vsel vm7, $0x10000, v2;
	_ =	sdelay $0x4  }
0xea: {  	[tilespmem:v2+s3+$0x0] =	vst.idx.add.f32.msk $0xffff, v0  }
0xeb: {  	v2 =	vld [tilespmem:$0x14180];
	_ =	sdelay $0x1  }
0xec: {  	v3 =	vld [tilespmem:$0x14380];
	_ =	sdelay $0x2  }
0xed: {  	v2 =	vsub.s32 v2, v1  }
0xee: {  	v56 =	vshll.u32 v2, $0xB  }
0xef: {  	vm8 =	vgt.u32 v2, $0x1F;
	v2 =	vadd.s32 v3, v56  }
0xf0: {  	v2 =	vsel vm8, $0x10000, v2;
	_ =	sdelay $0x4  }
0xf1: {  	[tilespmem:v2+s3+$0x0] =	vst.idx.add.f32.msk $0xffff, v0  }
0xf2: {  	v2 =	vld [tilespmem:$0x14190];
	_ =	sdelay $0x1  }
0xf3: {  	v3 =	vld [tilespmem:$0x14390];
	_ =	sdelay $0x2  }
0xf4: {  	v2 =	vsub.s32 v2, v1  }
0xf5: {  	v57 =	vshll.u32 v2, $0xB  }
0xf6: {  	vm9 =	vgt.u32 v2, $0x1F;
	v2 =	vadd.s32 v3, v57  }
0xf7: {  	v2 =	vsel vm9, $0x10000, v2;
	_ =	sdelay $0x4  }
0xf8: {  	[tilespmem:v2+s3+$0x0] =	vst.idx.add.f32.msk $0xffff, v0  }
0xf9: {  	v2 =	vld [tilespmem:$0x141A0];
	_ =	sdelay $0x1  }
0xfa: {  	v3 =	vld [tilespmem:$0x143A0];
	_ =	sdelay $0x2  }
0xfb: {  	v2 =	vsub.s32 v2, v1  }
0xfc: {  	v58 =	vshll.u32 v2, $0xB  }
0xfd: {  	vm10 =	vgt.u32 v2, $0x1F;
	v2 =	vadd.s32 v3, v58  }
0xfe: {  	v2 =	vsel vm10, $0x10000, v2;
	_ =	sdelay $0x4  }
0xff: {  	[tilespmem:v2+s3+$0x0] =	vst.idx.add.f32.msk $0xffff, v0  }
0x100: {  	v2 =	vld [tilespmem:$0x141B0];
	_ =	sdelay $0x1  }
0x101: {  	v3 =	vld [tilespmem:$0x143B0];
	_ =	sdelay $0x2  }
0x102: {  	v2 =	vsub.s32 v2, v1  }
0x103: {  	v59 =	vshll.u32 v2, $0xB  }
0x104: {  	vm11 =	vgt.u32 v2, $0x1F;
	v2 =	vadd.s32 v3, v59  }
0x105: {  	v2 =	vsel vm11, $0x10000, v2;
	_ =	sdelay $0x4  }
0x106: {  	[tilespmem:v2+s3+$0x0] =	vst.idx.add.f32.msk $0xffff, v0  }
0x107: {  	v2 =	vld [tilespmem:$0x141C0];
	_ =	sdelay $0x1  }
0x108: {  	v3 =	vld [tilespmem:$0x143C0];
	_ =	sdelay $0x2  }
0x109: {  	v2 =	vsub.s32 v2, v1  }
0x10a: {  	v60 =	vshll.u32 v2, $0xB  }
0x10b: {  	vm12 =	vgt.u32 v2, $0x1F;
	v2 =	vadd.s32 v3, v60  }
0x10c: {  	v2 =	vsel vm12, $0x10000, v2;
	_ =	sdelay $0x4  }
0x10d: {  	[tilespmem:v2+s3+$0x0] =	vst.idx.add.f32.msk $0xffff, v0  }
0x10e: {  	v2 =	vld [tilespmem:$0x141D0];
	_ =	sdelay $0x1  }
0x10f: {  	v3 =	vld [tilespmem:$0x143D0];
	_ =	sdelay $0x2  }
0x110: {  	v2 =	vsub.s32 v2, v1  }
0x111: {  	v61 =	vshll.u32 v2, $0xB  }
0x112: {  	vm13 =	vgt.u32 v2, $0x1F;
	v2 =	vadd.s32 v3, v61  }
0x113: {  	v2 =	vsel vm13, $0x10000, v2;
	_ =	sdelay $0x4  }
0x114: {  	[tilespmem:v2+s3+$0x0] =	vst.idx.add.f32.msk $0xffff, v0  }
0x115: {  	v2 =	vld [tilespmem:$0x141E0];
	_ =	sdelay $0x1  }
0x116: {  	v3 =	vld [tilespmem:$0x143E0];
	_ =	sdelay $0x2  }
0x117: {  	v2 =	vsub.s32 v2, v1  }
0x118: {  	v62 =	vshll.u32 v2, $0xB  }
0x119: {  	vm14 =	vgt.u32 v2, $0x1F;
	v2 =	vadd.s32 v3, v62  }
0x11a: {  	v2 =	vsel vm14, $0x10000, v2;
	_ =	sdelay $0x4  }
0x11b: {  	[tilespmem:v2+s3+$0x0] =	vst.idx.add.f32.msk $0xffff, v0  }
0x11c: {  	v2 =	vld [tilespmem:$0x141F0];
	_ =	sdelay $0x1  }
0x11d: {  	v3 =	vld [tilespmem:$0x143F0];
	_ =	sdelay $0x2  }
0x11e: {  	v2 =	vsub.s32 v2, v1  }
0x11f: {  	v63 =	vshll.u32 v2, $0xB  }
0x120: {  	vm15 =	vgt.u32 v2, $0x1F;
	v2 =	vadd.s32 v3, v63  }
0x121: {  	p0 =	sne.s32 s19, $0x1;
	v2 =	vsel vm15, $0x10000, v2  }
.Ltmp5:
0x122: {  	_ = 	snop;
	(pc) =	sbr.rel @p0 .LBB2_4-.Ltmp5, $2  }
0x123: {  	_ =	sdelay $0x2  }
0x124: {  	s21 =	sadd.s32 $0x200, s21;
	s19 =	sadd.s32 $0xFFFFFFFF, s19;
	[tilespmem:v2+s3+$0x0] =	vst.idx.add.f32.msk $0xffff, v0  }
.Ltmp6:
0x125: {  	_ = 	snop;
	(pc) =	sbr.rel .LBB2_5-.Ltmp6, $1  }
0x126: {  	_ =	sdelay $0x3  }
.LBB2_7:
0x127: {  	_ =	sfence.sel $0x180000  }
0x128: {  	[bflag:$0x0] =	sbarrier.arrive $0xFFFF  }
0x129: {  	p0 =	sne.s32 s4, $0x0;
	_ =	strace $0x90000047  }
0x12a: {  	s0 =	sadd.s32 @!p0 $0x100000, s0;
	[bflag:$0x2] =	sbarrier.arrive $0xFFFF  }
0x12b: {  	[sflag:s0] =	ssyncadd.tile.s32 @!p0 $0x1;
	_ =	shalt  }
.Lfunc_end2:
_tile_overlayer_lowered:
.L_overlay_start_2:
0x12c: {  	(tag) =	ssettag $0x2  }
0x12d: {  	s0 =	rddreg [dreg:$0x0];
	s2 =	stileid.u32  }
0x12e: {  	s1 =	rddreg [dreg:$0x1];
	p0 =	sne.s32 s2, $0x0  }
0x12f: {  	s3 =	rddreg [dreg:$0x2];
	[bflag:$0x3] =	sbarrier.arrive $0xFFFF;
	s2 =	simm.s32 @!p0 $0x1C01  }
0x130: {  	[timem:s3], [sflag:s2] =	dma.local @!p0 [hbm:s0], s1  }
0x131: {  	s0 =	simm.s32 @!p0 $0x1  }
0x132: {  	_ =	swait.ge @!p0 [sflag:s0], s1  }
0x133: {  	s1 =	ssub.s32 @!p0 $0x0, s1;
	[sflag:s0] =	ssyncset.done @!p0 $0x0  }
0x134: {  	[sflag:s0] =	ssyncadd.s32 @!p0 s1  }
0x135: {  	[bflag:$0x3] =	sbarrier.arrive $0xFFFF  }
0x136: {  	_ =	shalt  }

</sc_bundles>
